<compile_context>
chip_gen: v7x
topology: tpu7x:2x2x1
jax: 0.10.2.dev20260603
libtpu: 0.0.44.dev20260713+nightly
codegen_flags: <defaults>
</compile_context>

<pallas_src>
import functools

import jax
import jax.numpy as jnp
from jax import lax
from jax.experimental import pallas as pl
from jax.experimental.pallas import tpu as pltpu
from jax.experimental.pallas import tpu_sc as plsc

BATCH = 16384
EMBED_DIM = 32
NUM_CORES = 2
NUM_SUBCORES = 16
NUM_WORKERS = NUM_CORES * NUM_SUBCORES
ROWS_PER_WORKER = BATCH // NUM_WORKERS
LANES = 16
GROUP = 1
NUM_GROUPS = ROWS_PER_WORKER // GROUP
NUM_ITERS = NUM_GROUPS // 8
IDS_PAD = ROWS_PER_WORKER + LANES
SLOTS = 2 * GROUP


def _fm_body(uid_hbm, iid_hbm, ut_hbm, it_hbm, out_hbm,
             uids_v, iids_v, slab_v, out_v,
             sem0, sem1, sem2, sem3, sem4, sem5, sem6, sem7):
    wid = lax.axis_index("s") * NUM_CORES + lax.axis_index("c")
    base = wid * ROWS_PER_WORKER
    sems = [sem0, sem1, sem2, sem3, sem4, sem5, sem6, sem7]

    pltpu.sync_copy(uid_hbm.at[pl.ds(base, ROWS_PER_WORKER)],
                    uids_v.at[pl.ds(0, ROWS_PER_WORKER)])
    pltpu.sync_copy(iid_hbm.at[pl.ds(base, ROWS_PER_WORKER)],
                    iids_v.at[pl.ds(0, ROWS_PER_WORKER)])

    d16a = lax.iota(jnp.int32, LANES)
    d16b = d16a + LANES
    lane = d16a

    def issue(g, par):
        udv = uids_v[pl.ds(g * GROUP, LANES)]
        idv = iids_v[pl.ds(g * GROUP, LANES)]
        for j in range(GROUP):
            ru = udv[j]
            cb = pl.multiple_of(ru - (ru & 127), 128)
            pltpu.async_copy(ut_hbm.at[:, pl.ds(cb, 128)],
                             slab_v.at[par * SLOTS + j], sems[par])
            ri = idv[j]
            ci = pl.multiple_of(ri - (ri & 127), 128)
            pltpu.async_copy(it_hbm.at[:, pl.ds(ci, 128)],
                             slab_v.at[par * SLOTS + GROUP + j], sems[par])

    def wait_group(par):
        for j in range(SLOTS):
            pltpu.make_async_copy(ut_hbm.at[:, pl.ds(0, 128)],
                                  slab_v.at[par * SLOTS + j], sems[par]).wait()

    def fm(g, par, half, k, acc):
        udv = uids_v[pl.ds(g * GROUP, LANES)]
        idv = iids_v[pl.ds(g * GROUP, LANES)]
        for j in range(GROUP):
            rum = jnp.full((LANES,), udv[j] & 127, jnp.int32)
            rim = jnp.full((LANES,), idv[j] & 127, jnp.int32)
            zu = jnp.full((LANES,), par * SLOTS + j, jnp.int32)
            zi = jnp.full((LANES,), par * SLOTS + GROUP + j, jnp.int32)
            ua = plsc.load_gather(slab_v, [zu, d16a, rum])
            ub = plsc.load_gather(slab_v, [zu, d16b, rum])
            ia = plsc.load_gather(slab_v, [zi, d16a, rim])
            ib = plsc.load_gather(slab_v, [zi, d16b, rim])
            s = (ua + ia + ua * ia) + (ub + ib + ub * ib)
            acc = jnp.where(lane == half + k * GROUP + j, jnp.sum(s), acc)
        return acc

    for p in range(7):
        issue(p, p)

    def step(t, acc):
        g0 = 8 * t
        half = (t % 2) * (8 * GROUP)
        for k in range(8):
            nxt = g0 + k + 7

            @pl.when(nxt < NUM_GROUPS)
            def _():
                issue(nxt, (k + 7) % 8)

            wait_group(k)
            acc = fm(g0 + k, k, half, k, acc)

        @pl.when(t % 2 == 1)
        def _():
            out_v[pl.ds((t // 2) * LANES, LANES)] = acc
        return jnp.where(t % 2 == 1, jnp.zeros((LANES,), jnp.float32), acc)

    lax.fori_loop(0, NUM_ITERS, step, jnp.zeros((LANES,), jnp.float32))

    pltpu.sync_copy(out_v, out_hbm.at[pl.ds(base, ROWS_PER_WORKER)])


def kernel(user_ids, item_ids, user_table, item_table):
    uids = user_ids.astype(jnp.int32)
    iids = item_ids.astype(jnp.int32)
    mesh = plsc.VectorSubcoreMesh(core_axis_name="c", subcore_axis_name="s")
    fm = functools.partial(
        pl.kernel,
        mesh=mesh,
        compiler_params=pltpu.CompilerParams(needs_layout_passes=False,
                                             use_tc_tiling_on_sc=True),
        out_type=jax.ShapeDtypeStruct((BATCH,), jnp.float32),
        scratch_types=[
            pltpu.VMEM((IDS_PAD,), jnp.int32),
            pltpu.VMEM((IDS_PAD,), jnp.int32),
            pltpu.VMEM((8 * SLOTS, EMBED_DIM, 128), jnp.float32),
            pltpu.VMEM((ROWS_PER_WORKER,), jnp.float32),
            pltpu.SemaphoreType.DMA,
            pltpu.SemaphoreType.DMA,
            pltpu.SemaphoreType.DMA,
            pltpu.SemaphoreType.DMA,
            pltpu.SemaphoreType.DMA,
            pltpu.SemaphoreType.DMA,
            pltpu.SemaphoreType.DMA,
            pltpu.SemaphoreType.DMA,
        ],
    )(_fm_body)
    out = fm(uids, iids, user_table.T, item_table.T)
    return out.reshape(BATCH, 1)

# --- scband reference (transcript-rebuilt; emitter-appended) ---
"""Pipeline reference for scband-fmcomponent-57406532878605 (READ-ONLY COPY).

The authoritative reference and input builder live on the scoring server;
editing this copy changes nothing except your own understanding.
"""

import jax, jax.numpy as jnp
import numpy as np

NUM_USERS = 1000000
NUM_ITEMS = 1000000
EMBED_DIM = 32
BATCH = 16384

def setup_inputs(seed: int = 0) -> dict:
    key = jax.random.key(seed)
    k1, k2, k3, k4 = jax.random.split(key, 4)
    user_ids = jax.random.randint(k1, (BATCH,), 0, NUM_USERS, dtype=jnp.int64 if jax.config.jax_enable_x64 else jnp.int32)
    item_ids = jax.random.randint(k2, (BATCH,), 0, NUM_ITEMS, dtype=jnp.int64 if jax.config.jax_enable_x64 else jnp.int32)
    user_table = jax.random.normal(k3, (NUM_USERS, EMBED_DIM), dtype=jnp.float32) * 0.01
    item_table = jax.random.normal(k4, (NUM_ITEMS, EMBED_DIM), dtype=jnp.float32) * 0.01
    return {"user_ids": user_ids, "item_ids": item_ids, "user_table": user_table, "item_table": item_table}

def reference(user_ids, item_ids, user_table, item_table):
    user_emb = jnp.take(user_table, user_ids, axis=0)
    item_emb = jnp.take(item_table, item_ids, axis=0)
    first_order = jnp.sum(user_emb, axis=1, keepdims=True) + jnp.sum(item_emb, axis=1, keepdims=True)
    sum_square = jnp.sum(jnp.square(user_emb + item_emb), axis=1, keepdims=True)
    square_sum = jnp.sum(jnp.square(user_emb) + jnp.square(item_emb), axis=1, keepdims=True)
    second_order = 0.5 * (sum_square - square_sum)
    return first_order + second_order

if __name__ == "__main__":
    import jax
    _d = setup_inputs()
    print(jax.jit(kernel)(*tuple(_d.values())))

</pallas_src>

<mosaic_0001>
#map = affine_map<(d0, d1) -> (0)>
#map1 = affine_map<(d0, d1) -> (0, 0)>
module attributes {stable_mosaic.version = 14 : i64} {
  func.func @_fm_body(%arg0: i32, %arg1: i32, %arg2: memref<16384xi32, #tpu.memory_space<hbm>>, %arg3: memref<16384xi32, #tpu.memory_space<hbm>>, %arg4: memref<32x1000000xf32, #tpu.memory_space<hbm>>, %arg5: memref<32x1000000xf32, #tpu.memory_space<hbm>>, %arg6: memref<16384xf32, #tpu.memory_space<hbm>>, %arg7: memref<528xi32, #tpu.memory_space<vmem>>, %arg8: memref<528xi32, #tpu.memory_space<vmem>>, %arg9: memref<16x32x128xf32, #tpu.memory_space<vmem>>, %arg10: memref<512xf32, #tpu.memory_space<vmem>>, %arg11: memref<!tpu.dma_semaphore, #tpu.memory_space<semaphore_mem>>, %arg12: memref<!tpu.dma_semaphore, #tpu.memory_space<semaphore_mem>>, %arg13: memref<!tpu.dma_semaphore, #tpu.memory_space<semaphore_mem>>, %arg14: memref<!tpu.dma_semaphore, #tpu.memory_space<semaphore_mem>>, %arg15: memref<!tpu.dma_semaphore, #tpu.memory_space<semaphore_mem>>, %arg16: memref<!tpu.dma_semaphore, #tpu.memory_space<semaphore_mem>>, %arg17: memref<!tpu.dma_semaphore, #tpu.memory_space<semaphore_mem>>, %arg18: memref<!tpu.dma_semaphore, #tpu.memory_space<semaphore_mem>>) attributes {dimension_semantics = [#tpu.dimension_semantics<core_parallel>, #tpu.dimension_semantics<subcore_parallel>], iteration_bounds = array<i64: 2, 16>, scalar_prefetch = 0 : i64, scratch_operands = 12 : i64, tpu.core_type = #tpu.core_type<sc_vector_subcore>, window_params = [{transform_indices = #map}, {transform_indices = #map}, {transform_indices = #map1}, {transform_indices = #map1}, {transform_indices = #map}]} {
    %mul3A = arith.constant 2 : i32
    %mul3A_0 = arith.muli %arg1, %mul3A : i32
    %add3A = arith.addi %mul3A_0, %arg0 : i32
    %mul3A_1 = arith.constant 512 : i32
    %mul3A_2 = arith.muli %add3A, %mul3A_1 : i32
    "tpu.region"() ({
      %run_scoped3A = tpu.sem_alloc : memref<!tpu.dma_semaphore, #tpu.memory_space<semaphore_mem>>
      %dma_start3A_299 = arith.constant 0 : i32
      %dma_start3A_300 = tpu.memref_slice %arg7[%dma_start3A_299] : memref<528xi32, #tpu.memory_space<vmem>> -> memref<512xi32, #tpu.memory_space<vmem>>
      %dma_start3A_301 = tpu.memref_slice %arg2[%mul3A_2] : memref<16384xi32, #tpu.memory_space<hbm>> -> memref<512xi32, #tpu.memory_space<hbm>>
      %dma_start3A_302 = arith.constant 0 : i32
      %dma_start3A_303 = tpu.memref_slice %arg7[%dma_start3A_302] : memref<528xi32, #tpu.memory_space<vmem>> -> memref<512xi32, #tpu.memory_space<vmem>>
      %dma_start3A_304 = tpu.memref_slice %arg2[%mul3A_2] : memref<16384xi32, #tpu.memory_space<hbm>> -> memref<512xi32, #tpu.memory_space<hbm>>
      tpu.enqueue_dma source(%dma_start3A_304 : memref<512xi32, #tpu.memory_space<hbm>>) target(%dma_start3A_303 : memref<512xi32, #tpu.memory_space<vmem>>) target_semaphore(%run_scoped3A : memref<!tpu.dma_semaphore, #tpu.memory_space<semaphore_mem>>)
      %dma_wait3A = arith.constant 0 : i32
      %dma_wait3A_305 = tpu.memref_slice %arg7[%dma_wait3A] : memref<528xi32, #tpu.memory_space<vmem>> -> memref<512xi32, #tpu.memory_space<vmem>>
      %dma_wait3A_306 = tpu.memref_slice %arg2[%mul3A_2] : memref<16384xi32, #tpu.memory_space<hbm>> -> memref<512xi32, #tpu.memory_space<hbm>>
      %dma_wait3A_307 = arith.constant 0 : i32
      %dma_wait3A_308 = tpu.memref_slice %arg7[%dma_wait3A_307] : memref<528xi32, #tpu.memory_space<vmem>> -> memref<512xi32, #tpu.memory_space<vmem>>
      %dma_wait3A_309 = tpu.memref_slice %arg2[%mul3A_2] : memref<16384xi32, #tpu.memory_space<hbm>> -> memref<512xi32, #tpu.memory_space<hbm>>
      tpu.wait_dma2 semaphore(%run_scoped3A : memref<!tpu.dma_semaphore, #tpu.memory_space<semaphore_mem>>) src(%dma_wait3A_309 : memref<512xi32, #tpu.memory_space<hbm>>) dst(%dma_wait3A_308 : memref<512xi32, #tpu.memory_space<vmem>>)
      tpu.yield
    }) : () -> ()
    "tpu.region"() ({
      %run_scoped3A = tpu.sem_alloc : memref<!tpu.dma_semaphore, #tpu.memory_space<semaphore_mem>>
      %dma_start3A_299 = arith.constant 0 : i32
      %dma_start3A_300 = tpu.memref_slice %arg8[%dma_start3A_299] : memref<528xi32, #tpu.memory_space<vmem>> -> memref<512xi32, #tpu.memory_space<vmem>>
      %dma_start3A_301 = tpu.memref_slice %arg3[%mul3A_2] : memref<16384xi32, #tpu.memory_space<hbm>> -> memref<512xi32, #tpu.memory_space<hbm>>
      %dma_start3A_302 = arith.constant 0 : i32
      %dma_start3A_303 = tpu.memref_slice %arg8[%dma_start3A_302] : memref<528xi32, #tpu.memory_space<vmem>> -> memref<512xi32, #tpu.memory_space<vmem>>
      %dma_start3A_304 = tpu.memref_slice %arg3[%mul3A_2] : memref<16384xi32, #tpu.memory_space<hbm>> -> memref<512xi32, #tpu.memory_space<hbm>>
      tpu.enqueue_dma source(%dma_start3A_304 : memref<512xi32, #tpu.memory_space<hbm>>) target(%dma_start3A_303 : memref<512xi32, #tpu.memory_space<vmem>>) target_semaphore(%run_scoped3A : memref<!tpu.dma_semaphore, #tpu.memory_space<semaphore_mem>>)
      %dma_wait3A = arith.constant 0 : i32
      %dma_wait3A_305 = tpu.memref_slice %arg8[%dma_wait3A] : memref<528xi32, #tpu.memory_space<vmem>> -> memref<512xi32, #tpu.memory_space<vmem>>
      %dma_wait3A_306 = tpu.memref_slice %arg3[%mul3A_2] : memref<16384xi32, #tpu.memory_space<hbm>> -> memref<512xi32, #tpu.memory_space<hbm>>
      %dma_wait3A_307 = arith.constant 0 : i32
      %dma_wait3A_308 = tpu.memref_slice %arg8[%dma_wait3A_307] : memref<528xi32, #tpu.memory_space<vmem>> -> memref<512xi32, #tpu.memory_space<vmem>>
      %dma_wait3A_309 = tpu.memref_slice %arg3[%mul3A_2] : memref<16384xi32, #tpu.memory_space<hbm>> -> memref<512xi32, #tpu.memory_space<hbm>>
      tpu.wait_dma2 semaphore(%run_scoped3A : memref<!tpu.dma_semaphore, #tpu.memory_space<semaphore_mem>>) src(%dma_wait3A_309 : memref<512xi32, #tpu.memory_space<hbm>>) dst(%dma_wait3A_308 : memref<512xi32, #tpu.memory_space<vmem>>)
      tpu.yield
    }) : () -> ()
    %iota3A = tpu.iota {dimensions = array<i32: 0>} : vector<16xi32>
    %add3A_3 = arith.constant 16 : i32
    %add3A_4 = vector.broadcast %add3A_3 : i32 to vector<16xi32>
    %add3A_5 = arith.addi %iota3A, %add3A_4 : vector<16xi32>
    %get3A = arith.constant 0 : index
    %get3A_6 = tpu.vector_load %arg7[%get3A] {strides = array<i32>} : memref<528xi32, #tpu.memory_space<vmem>>, vector<16xi32>,
    %get3A_7 = arith.constant 0 : index
    %get3A_8 = tpu.vector_load %arg8[%get3A_7] {strides = array<i32>} : memref<528xi32, #tpu.memory_space<vmem>>, vector<16xi32>,
    %slice3A = vector.extract_strided_slice %get3A_6 {offsets = [0], sizes = [1], strides = [1]} : vector<16xi32> to vector<1xi32>
    %squeeze3A = vector.extract %slice3A[0] : i32 from vector<1xi32>
    %and3A = arith.constant 127 : i32
    %and3A_9 = arith.andi %squeeze3A, %and3A : i32
    %sub3A = arith.subi %squeeze3A, %and3A_9 : i32
    %multiple_of3A = tpu.assume_multiple %sub3A, 128 : i32
    %dma_start3A = arith.constant 0 : i32
    %dma_start3A_10 = arith.constant 0 : i32
    %dma_start3A_11 = arith.constant 0 : i32
    %dma_start3A_12 = tpu.memref_slice %arg9[%dma_start3A, %dma_start3A_10, %dma_start3A_11] : memref<16x32x128xf32, #tpu.memory_space<vmem>> -> memref<1x32x128xf32, #tpu.memory_space<vmem>>
    %dma_start3A_13 = tpu.memref_squeeze %dma_start3A_12 : memref<1x32x128xf32, #tpu.memory_space<vmem>> -> memref<32x128xf32, #tpu.memory_space<vmem>>
    %dma_start3A_14 = arith.constant 0 : i32
    %dma_start3A_15 = tpu.memref_slice %arg4[%dma_start3A_14, %multiple_of3A] : memref<32x1000000xf32, #tpu.memory_space<hbm>> -> memref<32x128xf32, #tpu.memory_space<hbm>>
    %dma_start3A_16 = arith.constant 0 : i32
    %dma_start3A_17 = arith.constant 0 : i32
    %dma_start3A_18 = tpu.memref_slice %arg9[%dma_start3A, %dma_start3A_16, %dma_start3A_17] : memref<16x32x128xf32, #tpu.memory_space<vmem>> -> memref<1x32x128xf32, #tpu.memory_space<vmem>>
    %dma_start3A_19 = tpu.memref_squeeze %dma_start3A_18 : memref<1x32x128xf32, #tpu.memory_space<vmem>> -> memref<32x128xf32, #tpu.memory_space<vmem>>
    %dma_start3A_20 = arith.constant 0 : i32
    %dma_start3A_21 = tpu.memref_slice %arg4[%dma_start3A_20, %multiple_of3A] : memref<32x1000000xf32, #tpu.memory_space<hbm>> -> memref<32x128xf32, #tpu.memory_space<hbm>>
    tpu.enqueue_dma source(%dma_start3A_21 : memref<32x128xf32, #tpu.memory_space<hbm>>) target(%dma_start3A_19 : memref<32x128xf32, #tpu.memory_space<vmem>>) target_semaphore(%arg11 : memref<!tpu.dma_semaphore, #tpu.memory_space<semaphore_mem>>)
    %slice3A_22 = vector.extract_strided_slice %get3A_8 {offsets = [0], sizes = [1], strides = [1]} : vector<16xi32> to vector<1xi32>
    %squeeze3A_23 = vector.extract %slice3A_22[0] : i32 from vector<1xi32>
    %and3A_24 = arith.constant 127 : i32
    %and3A_25 = arith.andi %squeeze3A_23, %and3A_24 : i32
    %sub3A_26 = arith.subi %squeeze3A_23, %and3A_25 : i32
    %multiple_of3A_27 = tpu.assume_multiple %sub3A_26, 128 : i32
    %dma_start3A_28 = arith.constant 1 : i32
    %dma_start3A_29 = arith.constant 0 : i32
    %dma_start3A_30 = arith.constant 0 : i32
    %dma_start3A_31 = tpu.memref_slice %arg9[%dma_start3A_28, %dma_start3A_29, %dma_start3A_30] : memref<16x32x128xf32, #tpu.memory_space<vmem>> -> memref<1x32x128xf32, #tpu.memory_space<vmem>>
    %dma_start3A_32 = tpu.memref_squeeze %dma_start3A_31 : memref<1x32x128xf32, #tpu.memory_space<vmem>> -> memref<32x128xf32, #tpu.memory_space<vmem>>
    %dma_start3A_33 = arith.constant 0 : i32
    %dma_start3A_34 = tpu.memref_slice %arg5[%dma_start3A_33, %multiple_of3A_27] : memref<32x1000000xf32, #tpu.memory_space<hbm>> -> memref<32x128xf32, #tpu.memory_space<hbm>>
    %dma_start3A_35 = arith.constant 0 : i32
    %dma_start3A_36 = arith.constant 0 : i32
    %dma_start3A_37 = tpu.memref_slice %arg9[%dma_start3A_28, %dma_start3A_35, %dma_start3A_36] : memref<16x32x128xf32, #tpu.memory_space<vmem>> -> memref<1x32x128xf32, #tpu.memory_space<vmem>>
    %dma_start3A_38 = tpu.memref_squeeze %dma_start3A_37 : memref<1x32x128xf32, #tpu.memory_space<vmem>> -> memref<32x128xf32, #tpu.memory_space<vmem>>
    %dma_start3A_39 = arith.constant 0 : i32
    %dma_start3A_40 = tpu.memref_slice %arg5[%dma_start3A_39, %multiple_of3A_27] : memref<32x1000000xf32, #tpu.memory_space<hbm>> -> memref<32x128xf32, #tpu.memory_space<hbm>>
    tpu.enqueue_dma source(%dma_start3A_40 : memref<32x128xf32, #tpu.memory_space<hbm>>) target(%dma_start3A_38 : memref<32x128xf32, #tpu.memory_space<vmem>>) target_semaphore(%arg11 : memref<!tpu.dma_semaphore, #tpu.memory_space<semaphore_mem>>)
    %get3A_41 = arith.constant 1 : index
    %get3A_42 = tpu.vector_load %arg7[%get3A_41] {strides = array<i32>} : memref<528xi32, #tpu.memory_space<vmem>>, vector<16xi32>,
    %get3A_43 = arith.constant 1 : index
    %get3A_44 = tpu.vector_load %arg8[%get3A_43] {strides = array<i32>} : memref<528xi32, #tpu.memory_space<vmem>>, vector<16xi32>,
    %slice3A_45 = vector.extract_strided_slice %get3A_42 {offsets = [0], sizes = [1], strides = [1]} : vector<16xi32> to vector<1xi32>
    %squeeze3A_46 = vector.extract %slice3A_45[0] : i32 from vector<1xi32>
    %and3A_47 = arith.constant 127 : i32
    %and3A_48 = arith.andi %squeeze3A_46, %and3A_47 : i32
    %sub3A_49 = arith.subi %squeeze3A_46, %and3A_48 : i32
    %multiple_of3A_50 = tpu.assume_multiple %sub3A_49, 128 : i32
    %dma_start3A_51 = arith.constant 2 : i32
    %dma_start3A_52 = arith.constant 0 : i32
    %dma_start3A_53 = arith.constant 0 : i32
    %dma_start3A_54 = tpu.memref_slice %arg9[%dma_start3A_51, %dma_start3A_52, %dma_start3A_53] : memref<16x32x128xf32, #tpu.memory_space<vmem>> -> memref<1x32x128xf32, #tpu.memory_space<vmem>>
    %dma_start3A_55 = tpu.memref_squeeze %dma_start3A_54 : memref<1x32x128xf32, #tpu.memory_space<vmem>> -> memref<32x128xf32, #tpu.memory_space<vmem>>
    %dma_start3A_56 = arith.constant 0 : i32
    %dma_start3A_57 = tpu.memref_slice %arg4[%dma_start3A_56, %multiple_of3A_50] : memref<32x1000000xf32, #tpu.memory_space<hbm>> -> memref<32x128xf32, #tpu.memory_space<hbm>>
    %dma_start3A_58 = arith.constant 0 : i32
    %dma_start3A_59 = arith.constant 0 : i32
    %dma_start3A_60 = tpu.memref_slice %arg9[%dma_start3A_51, %dma_start3A_58, %dma_start3A_59] : memref<16x32x128xf32, #tpu.memory_space<vmem>> -> memref<1x32x128xf32, #tpu.memory_space<vmem>>
    %dma_start3A_61 = tpu.memref_squeeze %dma_start3A_60 : memref<1x32x128xf32, #tpu.memory_space<vmem>> -> memref<32x128xf32, #tpu.memory_space<vmem>>
    %dma_start3A_62 = arith.constant 0 : i32
    %dma_start3A_63 = tpu.memref_slice %arg4[%dma_start3A_62, %multiple_of3A_50] : memref<32x1000000xf32, #tpu.memory_space<hbm>> -> memref<32x128xf32, #tpu.memory_space<hbm>>
    tpu.enqueue_dma source(%dma_start3A_63 : memref<32x128xf32, #tpu.memory_space<hbm>>) target(%dma_start3A_61 : memref<32x128xf32, #tpu.memory_space<vmem>>) target_semaphore(%arg12 : memref<!tpu.dma_semaphore, #tpu.memory_space<semaphore_mem>>)
    %slice3A_64 = vector.extract_strided_slice %get3A_44 {offsets = [0], sizes = [1], strides = [1]} : vector<16xi32> to vector<1xi32>
    %squeeze3A_65 = vector.extract %slice3A_64[0] : i32 from vector<1xi32>
    %and3A_66 = arith.constant 127 : i32
    %and3A_67 = arith.andi %squeeze3A_65, %and3A_66 : i32
    %sub3A_68 = arith.subi %squeeze3A_65, %and3A_67 : i32
    %multiple_of3A_69 = tpu.assume_multiple %sub3A_68, 128 : i32
    %dma_start3A_70 = arith.constant 3 : i32
    %dma_start3A_71 = arith.constant 0 : i32
    %dma_start3A_72 = arith.constant 0 : i32
    %dma_start3A_73 = tpu.memref_slice %arg9[%dma_start3A_70, %dma_start3A_71, %dma_start3A_72] : memref<16x32x128xf32, #tpu.memory_space<vmem>> -> memref<1x32x128xf32, #tpu.memory_space<vmem>>
    %dma_start3A_74 = tpu.memref_squeeze %dma_start3A_73 : memref<1x32x128xf32, #tpu.memory_space<vmem>> -> memref<32x128xf32, #tpu.memory_space<vmem>>
    %dma_start3A_75 = arith.constant 0 : i32
    %dma_start3A_76 = tpu.memref_slice %arg5[%dma_start3A_75, %multiple_of3A_69] : memref<32x1000000xf32, #tpu.memory_space<hbm>> -> memref<32x128xf32, #tpu.memory_space<hbm>>
    %dma_start3A_77 = arith.constant 0 : i32
    %dma_start3A_78 = arith.constant 0 : i32
    %dma_start3A_79 = tpu.memref_slice %arg9[%dma_start3A_70, %dma_start3A_77, %dma_start3A_78] : memref<16x32x128xf32, #tpu.memory_space<vmem>> -> memref<1x32x128xf32, #tpu.memory_space<vmem>>
    %dma_start3A_80 = tpu.memref_squeeze %dma_start3A_79 : memref<1x32x128xf32, #tpu.memory_space<vmem>> -> memref<32x128xf32, #tpu.memory_space<vmem>>
    %dma_start3A_81 = arith.constant 0 : i32
    %dma_start3A_82 = tpu.memref_slice %arg5[%dma_start3A_81, %multiple_of3A_69] : memref<32x1000000xf32, #tpu.memory_space<hbm>> -> memref<32x128xf32, #tpu.memory_space<hbm>>
    tpu.enqueue_dma source(%dma_start3A_82 : memref<32x128xf32, #tpu.memory_space<hbm>>) target(%dma_start3A_80 : memref<32x128xf32, #tpu.memory_space<vmem>>) target_semaphore(%arg12 : memref<!tpu.dma_semaphore, #tpu.memory_space<semaphore_mem>>)
    %get3A_83 = arith.constant 2 : index
    %get3A_84 = tpu.vector_load %arg7[%get3A_83] {strides = array<i32>} : memref<528xi32, #tpu.memory_space<vmem>>, vector<16xi32>,
    %get3A_85 = arith.constant 2 : index
    %get3A_86 = tpu.vector_load %arg8[%get3A_85] {strides = array<i32>} : memref<528xi32, #tpu.memory_space<vmem>>, vector<16xi32>,
    %slice3A_87 = vector.extract_strided_slice %get3A_84 {offsets = [0], sizes = [1], strides = [1]} : vector<16xi32> to vector<1xi32>
    %squeeze3A_88 = vector.extract %slice3A_87[0] : i32 from vector<1xi32>
    %and3A_89 = arith.constant 127 : i32
    %and3A_90 = arith.andi %squeeze3A_88, %and3A_89 : i32
    %sub3A_91 = arith.subi %squeeze3A_88, %and3A_90 : i32
    %multiple_of3A_92 = tpu.assume_multiple %sub3A_91, 128 : i32
    %dma_start3A_93 = arith.constant 4 : i32
    %dma_start3A_94 = arith.constant 0 : i32
    %dma_start3A_95 = arith.constant 0 : i32
    %dma_start3A_96 = tpu.memref_slice %arg9[%dma_start3A_93, %dma_start3A_94, %dma_start3A_95] : memref<16x32x128xf32, #tpu.memory_space<vmem>> -> memref<1x32x128xf32, #tpu.memory_space<vmem>>
    %dma_start3A_97 = tpu.memref_squeeze %dma_start3A_96 : memref<1x32x128xf32, #tpu.memory_space<vmem>> -> memref<32x128xf32, #tpu.memory_space<vmem>>
    %dma_start3A_98 = arith.constant 0 : i32
    %dma_start3A_99 = tpu.memref_slice %arg4[%dma_start3A_98, %multiple_of3A_92] : memref<32x1000000xf32, #tpu.memory_space<hbm>> -> memref<32x128xf32, #tpu.memory_space<hbm>>
    %dma_start3A_100 = arith.constant 0 : i32
    %dma_start3A_101 = arith.constant 0 : i32
    %dma_start3A_102 = tpu.memref_slice %arg9[%dma_start3A_93, %dma_start3A_100, %dma_start3A_101] : memref<16x32x128xf32, #tpu.memory_space<vmem>> -> memref<1x32x128xf32, #tpu.memory_space<vmem>>
    %dma_start3A_103 = tpu.memref_squeeze %dma_start3A_102 : memref<1x32x128xf32, #tpu.memory_space<vmem>> -> memref<32x128xf32, #tpu.memory_space<vmem>>
    %dma_start3A_104 = arith.constant 0 : i32
    %dma_start3A_105 = tpu.memref_slice %arg4[%dma_start3A_104, %multiple_of3A_92] : memref<32x1000000xf32, #tpu.memory_space<hbm>> -> memref<32x128xf32, #tpu.memory_space<hbm>>
    tpu.enqueue_dma source(%dma_start3A_105 : memref<32x128xf32, #tpu.memory_space<hbm>>) target(%dma_start3A_103 : memref<32x128xf32, #tpu.memory_space<vmem>>) target_semaphore(%arg13 : memref<!tpu.dma_semaphore, #tpu.memory_space<semaphore_mem>>)
    %slice3A_106 = vector.extract_strided_slice %get3A_86 {offsets = [0], sizes = [1], strides = [1]} : vector<16xi32> to vector<1xi32>
    %squeeze3A_107 = vector.extract %slice3A_106[0] : i32 from vector<1xi32>
    %and3A_108 = arith.constant 127 : i32
    %and3A_109 = arith.andi %squeeze3A_107, %and3A_108 : i32
    %sub3A_110 = arith.subi %squeeze3A_107, %and3A_109 : i32
    %multiple_of3A_111 = tpu.assume_multiple %sub3A_110, 128 : i32
    %dma_start3A_112 = arith.constant 5 : i32
    %dma_start3A_113 = arith.constant 0 : i32
    %dma_start3A_114 = arith.constant 0 : i32
    %dma_start3A_115 = tpu.memref_slice %arg9[%dma_start3A_112, %dma_start3A_113, %dma_start3A_114] : memref<16x32x128xf32, #tpu.memory_space<vmem>> -> memref<1x32x128xf32, #tpu.memory_space<vmem>>
    %dma_start3A_116 = tpu.memref_squeeze %dma_start3A_115 : memref<1x32x128xf32, #tpu.memory_space<vmem>> -> memref<32x128xf32, #tpu.memory_space<vmem>>
    %dma_start3A_117 = arith.constant 0 : i32
    %dma_start3A_118 = tpu.memref_slice %arg5[%dma_start3A_117, %multiple_of3A_111] : memref<32x1000000xf32, #tpu.memory_space<hbm>> -> memref<32x128xf32, #tpu.memory_space<hbm>>
    %dma_start3A_119 = arith.constant 0 : i32
    %dma_start3A_120 = arith.constant 0 : i32
    %dma_start3A_121 = tpu.memref_slice %arg9[%dma_start3A_112, %dma_start3A_119, %dma_start3A_120] : memref<16x32x128xf32, #tpu.memory_space<vmem>> -> memref<1x32x128xf32, #tpu.memory_space<vmem>>
    %dma_start3A_122 = tpu.memref_squeeze %dma_start3A_121 : memref<1x32x128xf32, #tpu.memory_space<vmem>> -> memref<32x128xf32, #tpu.memory_space<vmem>>
    %dma_start3A_123 = arith.constant 0 : i32
    %dma_start3A_124 = tpu.memref_slice %arg5[%dma_start3A_123, %multiple_of3A_111] : memref<32x1000000xf32, #tpu.memory_space<hbm>> -> memref<32x128xf32, #tpu.memory_space<hbm>>
    tpu.enqueue_dma source(%dma_start3A_124 : memref<32x128xf32, #tpu.memory_space<hbm>>) target(%dma_start3A_122 : memref<32x128xf32, #tpu.memory_space<vmem>>) target_semaphore(%arg13 : memref<!tpu.dma_semaphore, #tpu.memory_space<semaphore_mem>>)
    %get3A_125 = arith.constant 3 : index
    %get3A_126 = tpu.vector_load %arg7[%get3A_125] {strides = array<i32>} : memref<528xi32, #tpu.memory_space<vmem>>, vector<16xi32>,
    %get3A_127 = arith.constant 3 : index
    %get3A_128 = tpu.vector_load %arg8[%get3A_127] {strides = array<i32>} : memref<528xi32, #tpu.memory_space<vmem>>, vector<16xi32>,
    %slice3A_129 = vector.extract_strided_slice %get3A_126 {offsets = [0], sizes = [1], strides = [1]} : vector<16xi32> to vector<1xi32>
    %squeeze3A_130 = vector.extract %slice3A_129[0] : i32 from vector<1xi32>
    %and3A_131 = arith.constant 127 : i32
    %and3A_132 = arith.andi %squeeze3A_130, %and3A_131 : i32
    %sub3A_133 = arith.subi %squeeze3A_130, %and3A_132 : i32
    %multiple_of3A_134 = tpu.assume_multiple %sub3A_133, 128 : i32
    %dma_start3A_135 = arith.constant 6 : i32
    %dma_start3A_136 = arith.constant 0 : i32
    %dma_start3A_137 = arith.constant 0 : i32
    %dma_start3A_138 = tpu.memref_slice %arg9[%dma_start3A_135, %dma_start3A_136, %dma_start3A_137] : memref<16x32x128xf32, #tpu.memory_space<vmem>> -> memref<1x32x128xf32, #tpu.memory_space<vmem>>
    %dma_start3A_139 = tpu.memref_squeeze %dma_start3A_138 : memref<1x32x128xf32, #tpu.memory_space<vmem>> -> memref<32x128xf32, #tpu.memory_space<vmem>>
    %dma_start3A_140 = arith.constant 0 : i32
    %dma_start3A_141 = tpu.memref_slice %arg4[%dma_start3A_140, %multiple_of3A_134] : memref<32x1000000xf32, #tpu.memory_space<hbm>> -> memref<32x128xf32, #tpu.memory_space<hbm>>
    %dma_start3A_142 = arith.constant 0 : i32
    %dma_start3A_143 = arith.constant 0 : i32
    %dma_start3A_144 = tpu.memref_slice %arg9[%dma_start3A_135, %dma_start3A_142, %dma_start3A_143] : memref<16x32x128xf32, #tpu.memory_space<vmem>> -> memref<1x32x128xf32, #tpu.memory_space<vmem>>
    %dma_start3A_145 = tpu.memref_squeeze %dma_start3A_144 : memref<1x32x128xf32, #tpu.memory_space<vmem>> -> memref<32x128xf32, #tpu.memory_space<vmem>>
    %dma_start3A_146 = arith.constant 0 : i32
    %dma_start3A_147 = tpu.memref_slice %arg4[%dma_start3A_146, %multiple_of3A_134] : memref<32x1000000xf32, #tpu.memory_space<hbm>> -> memref<32x128xf32, #tpu.memory_space<hbm>>
    tpu.enqueue_dma source(%dma_start3A_147 : memref<32x128xf32, #tpu.memory_space<hbm>>) target(%dma_start3A_145 : memref<32x128xf32, #tpu.memory_space<vmem>>) target_semaphore(%arg14 : memref<!tpu.dma_semaphore, #tpu.memory_space<semaphore_mem>>)
    %slice3A_148 = vector.extract_strided_slice %get3A_128 {offsets = [0], sizes = [1], strides = [1]} : vector<16xi32> to vector<1xi32>
    %squeeze3A_149 = vector.extract %slice3A_148[0] : i32 from vector<1xi32>
    %and3A_150 = arith.constant 127 : i32
    %and3A_151 = arith.andi %squeeze3A_149, %and3A_150 : i32
    %sub3A_152 = arith.subi %squeeze3A_149, %and3A_151 : i32
    %multiple_of3A_153 = tpu.assume_multiple %sub3A_152, 128 : i32
    %dma_start3A_154 = arith.constant 7 : i32
    %dma_start3A_155 = arith.constant 0 : i32
    %dma_start3A_156 = arith.constant 0 : i32
    %dma_start3A_157 = tpu.memref_slice %arg9[%dma_start3A_154, %dma_start3A_155, %dma_start3A_156] : memref<16x32x128xf32, #tpu.memory_space<vmem>> -> memref<1x32x128xf32, #tpu.memory_space<vmem>>
    %dma_start3A_158 = tpu.memref_squeeze %dma_start3A_157 : memref<1x32x128xf32, #tpu.memory_space<vmem>> -> memref<32x128xf32, #tpu.memory_space<vmem>>
    %dma_start3A_159 = arith.constant 0 : i32
    %dma_start3A_160 = tpu.memref_slice %arg5[%dma_start3A_159, %multiple_of3A_153] : memref<32x1000000xf32, #tpu.memory_space<hbm>> -> memref<32x128xf32, #tpu.memory_space<hbm>>
    %dma_start3A_161 = arith.constant 0 : i32
    %dma_start3A_162 = arith.constant 0 : i32
    %dma_start3A_163 = tpu.memref_slice %arg9[%dma_start3A_154, %dma_start3A_161, %dma_start3A_162] : memref<16x32x128xf32, #tpu.memory_space<vmem>> -> memref<1x32x128xf32, #tpu.memory_space<vmem>>
    %dma_start3A_164 = tpu.memref_squeeze %dma_start3A_163 : memref<1x32x128xf32, #tpu.memory_space<vmem>> -> memref<32x128xf32, #tpu.memory_space<vmem>>
    %dma_start3A_165 = arith.constant 0 : i32
    %dma_start3A_166 = tpu.memref_slice %arg5[%dma_start3A_165, %multiple_of3A_153] : memref<32x1000000xf32, #tpu.memory_space<hbm>> -> memref<32x128xf32, #tpu.memory_space<hbm>>
    tpu.enqueue_dma source(%dma_start3A_166 : memref<32x128xf32, #tpu.memory_space<hbm>>) target(%dma_start3A_164 : memref<32x128xf32, #tpu.memory_space<vmem>>) target_semaphore(%arg14 : memref<!tpu.dma_semaphore, #tpu.memory_space<semaphore_mem>>)
    %get3A_167 = arith.constant 4 : index
    %get3A_168 = tpu.vector_load %arg7[%get3A_167] {strides = array<i32>} : memref<528xi32, #tpu.memory_space<vmem>>, vector<16xi32>,
    %get3A_169 = arith.constant 4 : index
    %get3A_170 = tpu.vector_load %arg8[%get3A_169] {strides = array<i32>} : memref<528xi32, #tpu.memory_space<vmem>>, vector<16xi32>,
    %slice3A_171 = vector.extract_strided_slice %get3A_168 {offsets = [0], sizes = [1], strides = [1]} : vector<16xi32> to vector<1xi32>
    %squeeze3A_172 = vector.extract %slice3A_171[0] : i32 from vector<1xi32>
    %and3A_173 = arith.constant 127 : i32
    %and3A_174 = arith.andi %squeeze3A_172, %and3A_173 : i32
    %sub3A_175 = arith.subi %squeeze3A_172, %and3A_174 : i32
    %multiple_of3A_176 = tpu.assume_multiple %sub3A_175, 128 : i32
    %dma_start3A_177 = arith.constant 8 : i32
    %dma_start3A_178 = arith.constant 0 : i32
    %dma_start3A_179 = arith.constant 0 : i32
    %dma_start3A_180 = tpu.memref_slice %arg9[%dma_start3A_177, %dma_start3A_178, %dma_start3A_179] : memref<16x32x128xf32, #tpu.memory_space<vmem>> -> memref<1x32x128xf32, #tpu.memory_space<vmem>>
    %dma_start3A_181 = tpu.memref_squeeze %dma_start3A_180 : memref<1x32x128xf32, #tpu.memory_space<vmem>> -> memref<32x128xf32, #tpu.memory_space<vmem>>
    %dma_start3A_182 = arith.constant 0 : i32
    %dma_start3A_183 = tpu.memref_slice %arg4[%dma_start3A_182, %multiple_of3A_176] : memref<32x1000000xf32, #tpu.memory_space<hbm>> -> memref<32x128xf32, #tpu.memory_space<hbm>>
    %dma_start3A_184 = arith.constant 0 : i32
    %dma_start3A_185 = arith.constant 0 : i32
    %dma_start3A_186 = tpu.memref_slice %arg9[%dma_start3A_177, %dma_start3A_184, %dma_start3A_185] : memref<16x32x128xf32, #tpu.memory_space<vmem>> -> memref<1x32x128xf32, #tpu.memory_space<vmem>>
    %dma_start3A_187 = tpu.memref_squeeze %dma_start3A_186 : memref<1x32x128xf32, #tpu.memory_space<vmem>> -> memref<32x128xf32, #tpu.memory_space<vmem>>
    %dma_start3A_188 = arith.constant 0 : i32
    %dma_start3A_189 = tpu.memref_slice %arg4[%dma_start3A_188, %multiple_of3A_176] : memref<32x1000000xf32, #tpu.memory_space<hbm>> -> memref<32x128xf32, #tpu.memory_space<hbm>>
    tpu.enqueue_dma source(%dma_start3A_189 : memref<32x128xf32, #tpu.memory_space<hbm>>) target(%dma_start3A_187 : memref<32x128xf32, #tpu.memory_space<vmem>>) target_semaphore(%arg15 : memref<!tpu.dma_semaphore, #tpu.memory_space<semaphore_mem>>)
    %slice3A_190 = vector.extract_strided_slice %get3A_170 {offsets = [0], sizes = [1], strides = [1]} : vector<16xi32> to vector<1xi32>
    %squeeze3A_191 = vector.extract %slice3A_190[0] : i32 from vector<1xi32>
    %and3A_192 = arith.constant 127 : i32
    %and3A_193 = arith.andi %squeeze3A_191, %and3A_192 : i32
    %sub3A_194 = arith.subi %squeeze3A_191, %and3A_193 : i32
    %multiple_of3A_195 = tpu.assume_multiple %sub3A_194, 128 : i32
    %dma_start3A_196 = arith.constant 9 : i32
    %dma_start3A_197 = arith.constant 0 : i32
    %dma_start3A_198 = arith.constant 0 : i32
    %dma_start3A_199 = tpu.memref_slice %arg9[%dma_start3A_196, %dma_start3A_197, %dma_start3A_198] : memref<16x32x128xf32, #tpu.memory_space<vmem>> -> memref<1x32x128xf32, #tpu.memory_space<vmem>>
    %dma_start3A_200 = tpu.memref_squeeze %dma_start3A_199 : memref<1x32x128xf32, #tpu.memory_space<vmem>> -> memref<32x128xf32, #tpu.memory_space<vmem>>
    %dma_start3A_201 = arith.constant 0 : i32
    %dma_start3A_202 = tpu.memref_slice %arg5[%dma_start3A_201, %multiple_of3A_195] : memref<32x1000000xf32, #tpu.memory_space<hbm>> -> memref<32x128xf32, #tpu.memory_space<hbm>>
    %dma_start3A_203 = arith.constant 0 : i32
    %dma_start3A_204 = arith.constant 0 : i32
    %dma_start3A_205 = tpu.memref_slice %arg9[%dma_start3A_196, %dma_start3A_203, %dma_start3A_204] : memref<16x32x128xf32, #tpu.memory_space<vmem>> -> memref<1x32x128xf32, #tpu.memory_space<vmem>>
    %dma_start3A_206 = tpu.memref_squeeze %dma_start3A_205 : memref<1x32x128xf32, #tpu.memory_space<vmem>> -> memref<32x128xf32, #tpu.memory_space<vmem>>
    %dma_start3A_207 = arith.constant 0 : i32
    %dma_start3A_208 = tpu.memref_slice %arg5[%dma_start3A_207, %multiple_of3A_195] : memref<32x1000000xf32, #tpu.memory_space<hbm>> -> memref<32x128xf32, #tpu.memory_space<hbm>>
    tpu.enqueue_dma source(%dma_start3A_208 : memref<32x128xf32, #tpu.memory_space<hbm>>) target(%dma_start3A_206 : memref<32x128xf32, #tpu.memory_space<vmem>>) target_semaphore(%arg15 : memref<!tpu.dma_semaphore, #tpu.memory_space<semaphore_mem>>)
    %get3A_209 = arith.constant 5 : index
    %get3A_210 = tpu.vector_load %arg7[%get3A_209] {strides = array<i32>} : memref<528xi32, #tpu.memory_space<vmem>>, vector<16xi32>,
    %get3A_211 = arith.constant 5 : index
    %get3A_212 = tpu.vector_load %arg8[%get3A_211] {strides = array<i32>} : memref<528xi32, #tpu.memory_space<vmem>>, vector<16xi32>,
    %slice3A_213 = vector.extract_strided_slice %get3A_210 {offsets = [0], sizes = [1], strides = [1]} : vector<16xi32> to vector<1xi32>
    %squeeze3A_214 = vector.extract %slice3A_213[0] : i32 from vector<1xi32>
    %and3A_215 = arith.constant 127 : i32
    %and3A_216 = arith.andi %squeeze3A_214, %and3A_215 : i32
    %sub3A_217 = arith.subi %squeeze3A_214, %and3A_216 : i32
    %multiple_of3A_218 = tpu.assume_multiple %sub3A_217, 128 : i32
    %dma_start3A_219 = arith.constant 10 : i32
    %dma_start3A_220 = arith.constant 0 : i32
    %dma_start3A_221 = arith.constant 0 : i32
    %dma_start3A_222 = tpu.memref_slice %arg9[%dma_start3A_219, %dma_start3A_220, %dma_start3A_221] : memref<16x32x128xf32, #tpu.memory_space<vmem>> -> memref<1x32x128xf32, #tpu.memory_space<vmem>>
    %dma_start3A_223 = tpu.memref_squeeze %dma_start3A_222 : memref<1x32x128xf32, #tpu.memory_space<vmem>> -> memref<32x128xf32, #tpu.memory_space<vmem>>
    %dma_start3A_224 = arith.constant 0 : i32
    %dma_start3A_225 = tpu.memref_slice %arg4[%dma_start3A_224, %multiple_of3A_218] : memref<32x1000000xf32, #tpu.memory_space<hbm>> -> memref<32x128xf32, #tpu.memory_space<hbm>>
    %dma_start3A_226 = arith.constant 0 : i32
    %dma_start3A_227 = arith.constant 0 : i32
    %dma_start3A_228 = tpu.memref_slice %arg9[%dma_start3A_219, %dma_start3A_226, %dma_start3A_227] : memref<16x32x128xf32, #tpu.memory_space<vmem>> -> memref<1x32x128xf32, #tpu.memory_space<vmem>>
    %dma_start3A_229 = tpu.memref_squeeze %dma_start3A_228 : memref<1x32x128xf32, #tpu.memory_space<vmem>> -> memref<32x128xf32, #tpu.memory_space<vmem>>
    %dma_start3A_230 = arith.constant 0 : i32
    %dma_start3A_231 = tpu.memref_slice %arg4[%dma_start3A_230, %multiple_of3A_218] : memref<32x1000000xf32, #tpu.memory_space<hbm>> -> memref<32x128xf32, #tpu.memory_space<hbm>>
    tpu.enqueue_dma source(%dma_start3A_231 : memref<32x128xf32, #tpu.memory_space<hbm>>) target(%dma_start3A_229 : memref<32x128xf32, #tpu.memory_space<vmem>>) target_semaphore(%arg16 : memref<!tpu.dma_semaphore, #tpu.memory_space<semaphore_mem>>)
    %slice3A_232 = vector.extract_strided_slice %get3A_212 {offsets = [0], sizes = [1], strides = [1]} : vector<16xi32> to vector<1xi32>
    %squeeze3A_233 = vector.extract %slice3A_232[0] : i32 from vector<1xi32>
    %and3A_234 = arith.constant 127 : i32
    %and3A_235 = arith.andi %squeeze3A_233, %and3A_234 : i32
    %sub3A_236 = arith.subi %squeeze3A_233, %and3A_235 : i32
    %multiple_of3A_237 = tpu.assume_multiple %sub3A_236, 128 : i32
    %dma_start3A_238 = arith.constant 11 : i32
    %dma_start3A_239 = arith.constant 0 : i32
    %dma_start3A_240 = arith.constant 0 : i32
    %dma_start3A_241 = tpu.memref_slice %arg9[%dma_start3A_238, %dma_start3A_239, %dma_start3A_240] : memref<16x32x128xf32, #tpu.memory_space<vmem>> -> memref<1x32x128xf32, #tpu.memory_space<vmem>>
    %dma_start3A_242 = tpu.memref_squeeze %dma_start3A_241 : memref<1x32x128xf32, #tpu.memory_space<vmem>> -> memref<32x128xf32, #tpu.memory_space<vmem>>
    %dma_start3A_243 = arith.constant 0 : i32
    %dma_start3A_244 = tpu.memref_slice %arg5[%dma_start3A_243, %multiple_of3A_237] : memref<32x1000000xf32, #tpu.memory_space<hbm>> -> memref<32x128xf32, #tpu.memory_space<hbm>>
    %dma_start3A_245 = arith.constant 0 : i32
    %dma_start3A_246 = arith.constant 0 : i32
    %dma_start3A_247 = tpu.memref_slice %arg9[%dma_start3A_238, %dma_start3A_245, %dma_start3A_246] : memref<16x32x128xf32, #tpu.memory_space<vmem>> -> memref<1x32x128xf32, #tpu.memory_space<vmem>>
    %dma_start3A_248 = tpu.memref_squeeze %dma_start3A_247 : memref<1x32x128xf32, #tpu.memory_space<vmem>> -> memref<32x128xf32, #tpu.memory_space<vmem>>
    %dma_start3A_249 = arith.constant 0 : i32
    %dma_start3A_250 = tpu.memref_slice %arg5[%dma_start3A_249, %multiple_of3A_237] : memref<32x1000000xf32, #tpu.memory_space<hbm>> -> memref<32x128xf32, #tpu.memory_space<hbm>>
    tpu.enqueue_dma source(%dma_start3A_250 : memref<32x128xf32, #tpu.memory_space<hbm>>) target(%dma_start3A_248 : memref<32x128xf32, #tpu.memory_space<vmem>>) target_semaphore(%arg16 : memref<!tpu.dma_semaphore, #tpu.memory_space<semaphore_mem>>)
    %get3A_251 = arith.constant 6 : index
    %get3A_252 = tpu.vector_load %arg7[%get3A_251] {strides = array<i32>} : memref<528xi32, #tpu.memory_space<vmem>>, vector<16xi32>,
    %get3A_253 = arith.constant 6 : index
    %get3A_254 = tpu.vector_load %arg8[%get3A_253] {strides = array<i32>} : memref<528xi32, #tpu.memory_space<vmem>>, vector<16xi32>,
    %slice3A_255 = vector.extract_strided_slice %get3A_252 {offsets = [0], sizes = [1], strides = [1]} : vector<16xi32> to vector<1xi32>
    %squeeze3A_256 = vector.extract %slice3A_255[0] : i32 from vector<1xi32>
    %and3A_257 = arith.constant 127 : i32
    %and3A_258 = arith.andi %squeeze3A_256, %and3A_257 : i32
    %sub3A_259 = arith.subi %squeeze3A_256, %and3A_258 : i32
    %multiple_of3A_260 = tpu.assume_multiple %sub3A_259, 128 : i32
    %dma_start3A_261 = arith.constant 12 : i32
    %dma_start3A_262 = arith.constant 0 : i32
    %dma_start3A_263 = arith.constant 0 : i32
    %dma_start3A_264 = tpu.memref_slice %arg9[%dma_start3A_261, %dma_start3A_262, %dma_start3A_263] : memref<16x32x128xf32, #tpu.memory_space<vmem>> -> memref<1x32x128xf32, #tpu.memory_space<vmem>>
    %dma_start3A_265 = tpu.memref_squeeze %dma_start3A_264 : memref<1x32x128xf32, #tpu.memory_space<vmem>> -> memref<32x128xf32, #tpu.memory_space<vmem>>
    %dma_start3A_266 = arith.constant 0 : i32
    %dma_start3A_267 = tpu.memref_slice %arg4[%dma_start3A_266, %multiple_of3A_260] : memref<32x1000000xf32, #tpu.memory_space<hbm>> -> memref<32x128xf32, #tpu.memory_space<hbm>>
    %dma_start3A_268 = arith.constant 0 : i32
    %dma_start3A_269 = arith.constant 0 : i32
    %dma_start3A_270 = tpu.memref_slice %arg9[%dma_start3A_261, %dma_start3A_268, %dma_start3A_269] : memref<16x32x128xf32, #tpu.memory_space<vmem>> -> memref<1x32x128xf32, #tpu.memory_space<vmem>>
    %dma_start3A_271 = tpu.memref_squeeze %dma_start3A_270 : memref<1x32x128xf32, #tpu.memory_space<vmem>> -> memref<32x128xf32, #tpu.memory_space<vmem>>
    %dma_start3A_272 = arith.constant 0 : i32
    %dma_start3A_273 = tpu.memref_slice %arg4[%dma_start3A_272, %multiple_of3A_260] : memref<32x1000000xf32, #tpu.memory_space<hbm>> -> memref<32x128xf32, #tpu.memory_space<hbm>>
    tpu.enqueue_dma source(%dma_start3A_273 : memref<32x128xf32, #tpu.memory_space<hbm>>) target(%dma_start3A_271 : memref<32x128xf32, #tpu.memory_space<vmem>>) target_semaphore(%arg17 : memref<!tpu.dma_semaphore, #tpu.memory_space<semaphore_mem>>)
    %slice3A_274 = vector.extract_strided_slice %get3A_254 {offsets = [0], sizes = [1], strides = [1]} : vector<16xi32> to vector<1xi32>
    %squeeze3A_275 = vector.extract %slice3A_274[0] : i32 from vector<1xi32>
    %and3A_276 = arith.constant 127 : i32
    %and3A_277 = arith.andi %squeeze3A_275, %and3A_276 : i32
    %sub3A_278 = arith.subi %squeeze3A_275, %and3A_277 : i32
    %multiple_of3A_279 = tpu.assume_multiple %sub3A_278, 128 : i32
    %dma_start3A_280 = arith.constant 13 : i32
    %dma_start3A_281 = arith.constant 0 : i32
    %dma_start3A_282 = arith.constant 0 : i32
    %dma_start3A_283 = tpu.memref_slice %arg9[%dma_start3A_280, %dma_start3A_281, %dma_start3A_282] : memref<16x32x128xf32, #tpu.memory_space<vmem>> -> memref<1x32x128xf32, #tpu.memory_space<vmem>>
    %dma_start3A_284 = tpu.memref_squeeze %dma_start3A_283 : memref<1x32x128xf32, #tpu.memory_space<vmem>> -> memref<32x128xf32, #tpu.memory_space<vmem>>
    %dma_start3A_285 = arith.constant 0 : i32
    %dma_start3A_286 = tpu.memref_slice %arg5[%dma_start3A_285, %multiple_of3A_279] : memref<32x1000000xf32, #tpu.memory_space<hbm>> -> memref<32x128xf32, #tpu.memory_space<hbm>>
    %dma_start3A_287 = arith.constant 0 : i32
    %dma_start3A_288 = arith.constant 0 : i32
    %dma_start3A_289 = tpu.memref_slice %arg9[%dma_start3A_280, %dma_start3A_287, %dma_start3A_288] : memref<16x32x128xf32, #tpu.memory_space<vmem>> -> memref<1x32x128xf32, #tpu.memory_space<vmem>>
    %dma_start3A_290 = tpu.memref_squeeze %dma_start3A_289 : memref<1x32x128xf32, #tpu.memory_space<vmem>> -> memref<32x128xf32, #tpu.memory_space<vmem>>
    %dma_start3A_291 = arith.constant 0 : i32
    %dma_start3A_292 = tpu.memref_slice %arg5[%dma_start3A_291, %multiple_of3A_279] : memref<32x1000000xf32, #tpu.memory_space<hbm>> -> memref<32x128xf32, #tpu.memory_space<hbm>>
    tpu.enqueue_dma source(%dma_start3A_292 : memref<32x128xf32, #tpu.memory_space<hbm>>) target(%dma_start3A_290 : memref<32x128xf32, #tpu.memory_space<vmem>>) target_semaphore(%arg17 : memref<!tpu.dma_semaphore, #tpu.memory_space<semaphore_mem>>)
    %broadcast_in_dim3A = arith.constant 0.000000e+00 : f32
    %broadcast_in_dim3A_293 = vector.broadcast %broadcast_in_dim3A : f32 to vector<16xf32>
    %scan3A = arith.constant 0 : i32
    %scan3A_294 = arith.constant 64 : i32
    %scan3A_295 = arith.addi %scan3A, %scan3A_294 : i32
    %scan3A_296 = arith.constant 1 : i32
    %scan3A_297 = scf.for %scan3A_299 = %scan3A to %scan3A_295 step %scan3A_296 iter_args(%scan3A_300 = %broadcast_in_dim3A_293) -> (vector<16xf32>)  : i32 {
      %mul3A_301 = arith.constant 8 : i32
      %mul3A_302 = arith.muli %mul3A_301, %scan3A_299 : i32
      %jit3A = arith.constant 2 : i32
      %eq3A = arith.constant 0 : i32
      %eq3A_303 = arith.cmpi eq, %jit3A, %eq3A : i32
      %jit3A_304 = arith.constant 1 : i32
      %select_n3A = arith.select %eq3A_303, %jit3A_304, %jit3A : i32
      %rem3A = arith.remsi %scan3A_299, %select_n3A : i32
      %ne3A = arith.constant 0 : i32
      %ne3A_305 = arith.cmpi ne, %rem3A, %ne3A : i32
      %lt3A = arith.constant 0 : i32
      %lt3A_306 = arith.cmpi slt, %rem3A, %lt3A : i32
      %lt3A_307 = arith.constant 0 : i32
      %lt3A_308 = arith.cmpi slt, %select_n3A, %lt3A_307 : i32
      %ne3A_309 = arith.xori %lt3A_306, %lt3A_308 : i1
      %and3A_310 = arith.andi %ne3A_309, %ne3A_305 : i1
      %add3A_311 = arith.addi %rem3A, %select_n3A : i32
      %select_n3A_312 = arith.select %and3A_310, %add3A_311, %rem3A : i32
      %mul3A_313 = arith.constant 8 : i32
      %mul3A_314 = arith.muli %select_n3A_312, %mul3A_313 : i32
      %add3A_315 = arith.constant 0 : i32
      %add3A_316 = arith.addi %mul3A_302, %add3A_315 : i32
      %add3A_317 = arith.constant 7 : i32
      %add3A_318 = arith.addi %add3A_316, %add3A_317 : i32
      %lt3A_319 = arith.constant 512 : i32
      %lt3A_320 = arith.cmpi slt, %add3A_318, %lt3A_319 : i32
      %convert_element_type3A = arith.extui %lt3A_320 : i1 to i32
      %cond3A = arith.constant 0 : i32
      %cond3A_321 = arith.cmpi ne, %convert_element_type3A, %cond3A : i32
      scf.if %cond3A_321 {
        %mul3A_1040 = arith.constant 1 : i32
        %mul3A_1041 = arith.muli %add3A_318, %mul3A_1040 : i32
        %get3A_1042 = arith.index_cast %mul3A_1041 : i32 to index
        %get3A_1043 = tpu.vector_load %arg7[%get3A_1042] {strides = array<i32>} : memref<528xi32, #tpu.memory_space<vmem>>, vector<16xi32>,
        %mul3A_1044 = arith.constant 1 : i32
        %mul3A_1045 = arith.muli %add3A_318, %mul3A_1044 : i32
        %get3A_1046 = arith.index_cast %mul3A_1045 : i32 to index
        %get3A_1047 = tpu.vector_load %arg8[%get3A_1046] {strides = array<i32>} : memref<528xi32, #tpu.memory_space<vmem>>, vector<16xi32>,
        %slice3A_1048 = vector.extract_strided_slice %get3A_1043 {offsets = [0], sizes = [1], strides = [1]} : vector<16xi32> to vector<1xi32>
        %squeeze3A_1049 = vector.extract %slice3A_1048[0] : i32 from vector<1xi32>
        %and3A_1050 = arith.constant 127 : i32
        %and3A_1051 = arith.andi %squeeze3A_1049, %and3A_1050 : i32
        %sub3A_1052 = arith.subi %squeeze3A_1049, %and3A_1051 : i32
        %multiple_of3A_1053 = tpu.assume_multiple %sub3A_1052, 128 : i32
        %dma_start3A_1054 = arith.constant 14 : i32
        %dma_start3A_1055 = arith.constant 0 : i32
        %dma_start3A_1056 = arith.constant 0 : i32
        %dma_start3A_1057 = tpu.memref_slice %arg9[%dma_start3A_1054, %dma_start3A_1055, %dma_start3A_1056] : memref<16x32x128xf32, #tpu.memory_space<vmem>> -> memref<1x32x128xf32, #tpu.memory_space<vmem>>
        %dma_start3A_1058 = tpu.memref_squeeze %dma_start3A_1057 : memref<1x32x128xf32, #tpu.memory_space<vmem>> -> memref<32x128xf32, #tpu.memory_space<vmem>>
        %dma_start3A_1059 = arith.constant 0 : i32
        %dma_start3A_1060 = tpu.memref_slice %arg4[%dma_start3A_1059, %multiple_of3A_1053] : memref<32x1000000xf32, #tpu.memory_space<hbm>> -> memref<32x128xf32, #tpu.memory_space<hbm>>
        %dma_start3A_1061 = arith.constant 0 : i32
        %dma_start3A_1062 = arith.constant 0 : i32
        %dma_start3A_1063 = tpu.memref_slice %arg9[%dma_start3A_1054, %dma_start3A_1061, %dma_start3A_1062] : memref<16x32x128xf32, #tpu.memory_space<vmem>> -> memref<1x32x128xf32, #tpu.memory_space<vmem>>
        %dma_start3A_1064 = tpu.memref_squeeze %dma_start3A_1063 : memref<1x32x128xf32, #tpu.memory_space<vmem>> -> memref<32x128xf32, #tpu.memory_space<vmem>>
        %dma_start3A_1065 = arith.constant 0 : i32
        %dma_start3A_1066 = tpu.memref_slice %arg4[%dma_start3A_1065, %multiple_of3A_1053] : memref<32x1000000xf32, #tpu.memory_space<hbm>> -> memref<32x128xf32, #tpu.memory_space<hbm>>
        tpu.enqueue_dma source(%dma_start3A_1066 : memref<32x128xf32, #tpu.memory_space<hbm>>) target(%dma_start3A_1064 : memref<32x128xf32, #tpu.memory_space<vmem>>) target_semaphore(%arg18 : memref<!tpu.dma_semaphore, #tpu.memory_space<semaphore_mem>>)
        %slice3A_1067 = vector.extract_strided_slice %get3A_1047 {offsets = [0], sizes = [1], strides = [1]} : vector<16xi32> to vector<1xi32>
        %squeeze3A_1068 = vector.extract %slice3A_1067[0] : i32 from vector<1xi32>
        %and3A_1069 = arith.constant 127 : i32
        %and3A_1070 = arith.andi %squeeze3A_1068, %and3A_1069 : i32
        %sub3A_1071 = arith.subi %squeeze3A_1068, %and3A_1070 : i32
        %multiple_of3A_1072 = tpu.assume_multiple %sub3A_1071, 128 : i32
        %dma_start3A_1073 = arith.constant 15 : i32
        %dma_start3A_1074 = arith.constant 0 : i32
        %dma_start3A_1075 = arith.constant 0 : i32
        %dma_start3A_1076 = tpu.memref_slice %arg9[%dma_start3A_1073, %dma_start3A_1074, %dma_start3A_1075] : memref<16x32x128xf32, #tpu.memory_space<vmem>> -> memref<1x32x128xf32, #tpu.memory_space<vmem>>
        %dma_start3A_1077 = tpu.memref_squeeze %dma_start3A_1076 : memref<1x32x128xf32, #tpu.memory_space<vmem>> -> memref<32x128xf32, #tpu.memory_space<vmem>>
        %dma_start3A_1078 = arith.constant 0 : i32
        %dma_start3A_1079 = tpu.memref_slice %arg5[%dma_start3A_1078, %multiple_of3A_1072] : memref<32x1000000xf32, #tpu.memory_space<hbm>> -> memref<32x128xf32, #tpu.memory_space<hbm>>
        %dma_start3A_1080 = arith.constant 0 : i32
        %dma_start3A_1081 = arith.constant 0 : i32
        %dma_start3A_1082 = tpu.memref_slice %arg9[%dma_start3A_1073, %dma_start3A_1080, %dma_start3A_1081] : memref<16x32x128xf32, #tpu.memory_space<vmem>> -> memref<1x32x128xf32, #tpu.memory_space<vmem>>
        %dma_start3A_1083 = tpu.memref_squeeze %dma_start3A_1082 : memref<1x32x128xf32, #tpu.memory_space<vmem>> -> memref<32x128xf32, #tpu.memory_space<vmem>>
        %dma_start3A_1084 = arith.constant 0 : i32
        %dma_start3A_1085 = tpu.memref_slice %arg5[%dma_start3A_1084, %multiple_of3A_1072] : memref<32x1000000xf32, #tpu.memory_space<hbm>> -> memref<32x128xf32, #tpu.memory_space<hbm>>
        tpu.enqueue_dma source(%dma_start3A_1085 : memref<32x128xf32, #tpu.memory_space<hbm>>) target(%dma_start3A_1083 : memref<32x128xf32, #tpu.memory_space<vmem>>) target_semaphore(%arg18 : memref<!tpu.dma_semaphore, #tpu.memory_space<semaphore_mem>>)
      } else {
      }
      %dma_wait3A = arith.constant 0 : i32
      %dma_wait3A_322 = arith.constant 0 : i32
      %dma_wait3A_323 = arith.constant 0 : i32
      %dma_wait3A_324 = tpu.memref_slice %arg9[%dma_wait3A, %dma_wait3A_322, %dma_wait3A_323] : memref<16x32x128xf32, #tpu.memory_space<vmem>> -> memref<1x32x128xf32, #tpu.memory_space<vmem>>
      %dma_wait3A_325 = tpu.memref_squeeze %dma_wait3A_324 : memref<1x32x128xf32, #tpu.memory_space<vmem>> -> memref<32x128xf32, #tpu.memory_space<vmem>>
      %dma_wait3A_326 = arith.constant 0 : i32
      %dma_wait3A_327 = arith.constant 0 : i32
      %dma_wait3A_328 = tpu.memref_slice %arg4[%dma_wait3A_326, %dma_wait3A_327] : memref<32x1000000xf32, #tpu.memory_space<hbm>> -> memref<32x128xf32, #tpu.memory_space<hbm>>
      %dma_wait3A_329 = arith.constant 0 : i32
      %dma_wait3A_330 = arith.constant 0 : i32
      %dma_wait3A_331 = tpu.memref_slice %arg9[%dma_wait3A, %dma_wait3A_329, %dma_wait3A_330] : memref<16x32x128xf32, #tpu.memory_space<vmem>> -> memref<1x32x128xf32, #tpu.memory_space<vmem>>
      %dma_wait3A_332 = tpu.memref_squeeze %dma_wait3A_331 : memref<1x32x128xf32, #tpu.memory_space<vmem>> -> memref<32x128xf32, #tpu.memory_space<vmem>>
      %dma_wait3A_333 = arith.constant 0 : i32
      %dma_wait3A_334 = arith.constant 0 : i32
      %dma_wait3A_335 = tpu.memref_slice %arg4[%dma_wait3A_333, %dma_wait3A_334] : memref<32x1000000xf32, #tpu.memory_space<hbm>> -> memref<32x128xf32, #tpu.memory_space<hbm>>
      tpu.wait_dma2 semaphore(%arg11 : memref<!tpu.dma_semaphore, #tpu.memory_space<semaphore_mem>>) src(%dma_wait3A_335 : memref<32x128xf32, #tpu.memory_space<hbm>>) dst(%dma_wait3A_332 : memref<32x128xf32, #tpu.memory_space<vmem>>)
      %dma_wait3A_336 = arith.constant 1 : i32
      %dma_wait3A_337 = arith.constant 0 : i32
      %dma_wait3A_338 = arith.constant 0 : i32
      %dma_wait3A_339 = tpu.memref_slice %arg9[%dma_wait3A_336, %dma_wait3A_337, %dma_wait3A_338] : memref<16x32x128xf32, #tpu.memory_space<vmem>> -> memref<1x32x128xf32, #tpu.memory_space<vmem>>
      %dma_wait3A_340 = tpu.memref_squeeze %dma_wait3A_339 : memref<1x32x128xf32, #tpu.memory_space<vmem>> -> memref<32x128xf32, #tpu.memory_space<vmem>>
      %dma_wait3A_341 = arith.constant 0 : i32
      %dma_wait3A_342 = arith.constant 0 : i32
      %dma_wait3A_343 = tpu.memref_slice %arg4[%dma_wait3A_341, %dma_wait3A_342] : memref<32x1000000xf32, #tpu.memory_space<hbm>> -> memref<32x128xf32, #tpu.memory_space<hbm>>
      %dma_wait3A_344 = arith.constant 0 : i32
      %dma_wait3A_345 = arith.constant 0 : i32
      %dma_wait3A_346 = tpu.memref_slice %arg9[%dma_wait3A_336, %dma_wait3A_344, %dma_wait3A_345] : memref<16x32x128xf32, #tpu.memory_space<vmem>> -> memref<1x32x128xf32, #tpu.memory_space<vmem>>
      %dma_wait3A_347 = tpu.memref_squeeze %dma_wait3A_346 : memref<1x32x128xf32, #tpu.memory_space<vmem>> -> memref<32x128xf32, #tpu.memory_space<vmem>>
      %dma_wait3A_348 = arith.constant 0 : i32
      %dma_wait3A_349 = arith.constant 0 : i32
      %dma_wait3A_350 = tpu.memref_slice %arg4[%dma_wait3A_348, %dma_wait3A_349] : memref<32x1000000xf32, #tpu.memory_space<hbm>> -> memref<32x128xf32, #tpu.memory_space<hbm>>
      tpu.wait_dma2 semaphore(%arg11 : memref<!tpu.dma_semaphore, #tpu.memory_space<semaphore_mem>>) src(%dma_wait3A_350 : memref<32x128xf32, #tpu.memory_space<hbm>>) dst(%dma_wait3A_347 : memref<32x128xf32, #tpu.memory_space<vmem>>)
      %add3A_351 = arith.constant 0 : i32
      %add3A_352 = arith.addi %mul3A_302, %add3A_351 : i32
      %mul3A_353 = arith.constant 1 : i32
      %mul3A_354 = arith.muli %add3A_352, %mul3A_353 : i32
      %get3A_355 = arith.index_cast %mul3A_354 : i32 to index
      %get3A_356 = tpu.vector_load %arg7[%get3A_355] {strides = array<i32>} : memref<528xi32, #tpu.memory_space<vmem>>, vector<16xi32>,
      %mul3A_357 = arith.constant 1 : i32
      %mul3A_358 = arith.muli %add3A_352, %mul3A_357 : i32
      %get3A_359 = arith.index_cast %mul3A_358 : i32 to index
      %get3A_360 = tpu.vector_load %arg8[%get3A_359] {strides = array<i32>} : memref<528xi32, #tpu.memory_space<vmem>>, vector<16xi32>,
      %slice3A_361 = vector.extract_strided_slice %get3A_356 {offsets = [0], sizes = [1], strides = [1]} : vector<16xi32> to vector<1xi32>
      %squeeze3A_362 = vector.extract %slice3A_361[0] : i32 from vector<1xi32>
      %and3A_363 = arith.constant 127 : i32
      %and3A_364 = arith.andi %squeeze3A_362, %and3A_363 : i32
      %broadcast_in_dim3A_365 = vector.broadcast %and3A_364 : i32 to vector<16xi32>
      %slice3A_366 = vector.extract_strided_slice %get3A_360 {offsets = [0], sizes = [1], strides = [1]} : vector<16xi32> to vector<1xi32>
      %squeeze3A_367 = vector.extract %slice3A_366[0] : i32 from vector<1xi32>
      %and3A_368 = arith.constant 127 : i32
      %and3A_369 = arith.andi %squeeze3A_367, %and3A_368 : i32
      %broadcast_in_dim3A_370 = vector.broadcast %and3A_369 : i32 to vector<16xi32>
      %broadcast_in_dim3A_371 = arith.constant 0 : i32
      %broadcast_in_dim3A_372 = vector.broadcast %broadcast_in_dim3A_371 : i32 to vector<16xi32>
      %broadcast_in_dim3A_373 = arith.constant 1 : i32
      %broadcast_in_dim3A_374 = vector.broadcast %broadcast_in_dim3A_373 : i32 to vector<16xi32>
      %gather3A = tpu.vector_load_idx %arg9[%broadcast_in_dim3A_372, %iota3A, %broadcast_in_dim3A_365] : memref<16x32x128xf32, #tpu.memory_space<vmem>>[vector<16xi32>, vector<16xi32>, vector<16xi32>], vector<16xf32>,
      %gather3A_375 = tpu.vector_load_idx %arg9[%broadcast_in_dim3A_372, %add3A_5, %broadcast_in_dim3A_365] : memref<16x32x128xf32, #tpu.memory_space<vmem>>[vector<16xi32>, vector<16xi32>, vector<16xi32>], vector<16xf32>,
      %gather3A_376 = tpu.vector_load_idx %arg9[%broadcast_in_dim3A_374, %iota3A, %broadcast_in_dim3A_370] : memref<16x32x128xf32, #tpu.memory_space<vmem>>[vector<16xi32>, vector<16xi32>, vector<16xi32>], vector<16xf32>,
      %gather3A_377 = tpu.vector_load_idx %arg9[%broadcast_in_dim3A_374, %add3A_5, %broadcast_in_dim3A_370] : memref<16x32x128xf32, #tpu.memory_space<vmem>>[vector<16xi32>, vector<16xi32>, vector<16xi32>], vector<16xf32>,
      %add3A_378 = arith.addf %gather3A, %gather3A_376 : vector<16xf32>
      %mul3A_379 = arith.mulf %gather3A, %gather3A_376 : vector<16xf32>
      %add3A_380 = arith.addf %add3A_378, %mul3A_379 : vector<16xf32>
      %add3A_381 = arith.addf %gather3A_375, %gather3A_377 : vector<16xf32>
      %mul3A_382 = arith.mulf %gather3A_375, %gather3A_377 : vector<16xf32>
      %add3A_383 = arith.addf %add3A_381, %mul3A_382 : vector<16xf32>
      %add3A_384 = arith.addf %add3A_380, %add3A_383 : vector<16xf32>
      %add3A_385 = arith.constant 0 : i32
      %add3A_386 = arith.addi %mul3A_314, %add3A_385 : i32
      %add3A_387 = arith.constant 0 : i32
      %add3A_388 = arith.addi %add3A_386, %add3A_387 : i32
      %eq3A_389 = vector.broadcast %add3A_388 : i32 to vector<16xi32>
      %eq3A_390 = arith.cmpi eq, %iota3A, %eq3A_389 : vector<16xi32>
      %reduce_sum3A = arith.constant true
      %reduce_sum3A_391 = vector.broadcast %reduce_sum3A : i1 to vector<16xi1>
      %reduce_sum3A_392 = tpu.scan <sum>, %add3A_384 masked %reduce_sum3A_391 : vector<16xf32>, vector<16xi1> -> vector<16xf32>
      %reduce_sum3A_393 = vector.extract %reduce_sum3A_392[15] : f32 from vector<16xf32>
      %broadcast_in_dim3A_394 = vector.broadcast %reduce_sum3A_393 : f32 to vector<16xf32>
      %select_n3A_395 = arith.select %eq3A_390, %broadcast_in_dim3A_394, %scan3A_300 : vector<16xi1>, vector<16xf32>
      %add3A_396 = arith.constant 1 : i32
      %add3A_397 = arith.addi %mul3A_302, %add3A_396 : i32
      %add3A_398 = arith.constant 7 : i32
      %add3A_399 = arith.addi %add3A_397, %add3A_398 : i32
      %lt3A_400 = arith.constant 512 : i32
      %lt3A_401 = arith.cmpi slt, %add3A_399, %lt3A_400 : i32
      %convert_element_type3A_402 = arith.extui %lt3A_401 : i1 to i32
      %cond3A_403 = arith.constant 0 : i32
      %cond3A_404 = arith.cmpi ne, %convert_element_type3A_402, %cond3A_403 : i32
      scf.if %cond3A_404 {
        %mul3A_1040 = arith.constant 1 : i32
        %mul3A_1041 = arith.muli %add3A_399, %mul3A_1040 : i32
        %get3A_1042 = arith.index_cast %mul3A_1041 : i32 to index
        %get3A_1043 = tpu.vector_load %arg7[%get3A_1042] {strides = array<i32>} : memref<528xi32, #tpu.memory_space<vmem>>, vector<16xi32>,
        %mul3A_1044 = arith.constant 1 : i32
        %mul3A_1045 = arith.muli %add3A_399, %mul3A_1044 : i32
        %get3A_1046 = arith.index_cast %mul3A_1045 : i32 to index
        %get3A_1047 = tpu.vector_load %arg8[%get3A_1046] {strides = array<i32>} : memref<528xi32, #tpu.memory_space<vmem>>, vector<16xi32>,
        %slice3A_1048 = vector.extract_strided_slice %get3A_1043 {offsets = [0], sizes = [1], strides = [1]} : vector<16xi32> to vector<1xi32>
        %squeeze3A_1049 = vector.extract %slice3A_1048[0] : i32 from vector<1xi32>
        %and3A_1050 = arith.constant 127 : i32
        %and3A_1051 = arith.andi %squeeze3A_1049, %and3A_1050 : i32
        %sub3A_1052 = arith.subi %squeeze3A_1049, %and3A_1051 : i32
        %multiple_of3A_1053 = tpu.assume_multiple %sub3A_1052, 128 : i32
        %dma_start3A_1054 = arith.constant 0 : i32
        %dma_start3A_1055 = arith.constant 0 : i32
        %dma_start3A_1056 = arith.constant 0 : i32
        %dma_start3A_1057 = tpu.memref_slice %arg9[%dma_start3A_1054, %dma_start3A_1055, %dma_start3A_1056] : memref<16x32x128xf32, #tpu.memory_space<vmem>> -> memref<1x32x128xf32, #tpu.memory_space<vmem>>
        %dma_start3A_1058 = tpu.memref_squeeze %dma_start3A_1057 : memref<1x32x128xf32, #tpu.memory_space<vmem>> -> memref<32x128xf32, #tpu.memory_space<vmem>>
        %dma_start3A_1059 = arith.constant 0 : i32
        %dma_start3A_1060 = tpu.memref_slice %arg4[%dma_start3A_1059, %multiple_of3A_1053] : memref<32x1000000xf32, #tpu.memory_space<hbm>> -> memref<32x128xf32, #tpu.memory_space<hbm>>
        %dma_start3A_1061 = arith.constant 0 : i32
        %dma_start3A_1062 = arith.constant 0 : i32
        %dma_start3A_1063 = tpu.memref_slice %arg9[%dma_start3A_1054, %dma_start3A_1061, %dma_start3A_1062] : memref<16x32x128xf32, #tpu.memory_space<vmem>> -> memref<1x32x128xf32, #tpu.memory_space<vmem>>
        %dma_start3A_1064 = tpu.memref_squeeze %dma_start3A_1063 : memref<1x32x128xf32, #tpu.memory_space<vmem>> -> memref<32x128xf32, #tpu.memory_space<vmem>>
        %dma_start3A_1065 = arith.constant 0 : i32
        %dma_start3A_1066 = tpu.memref_slice %arg4[%dma_start3A_1065, %multiple_of3A_1053] : memref<32x1000000xf32, #tpu.memory_space<hbm>> -> memref<32x128xf32, #tpu.memory_space<hbm>>
        tpu.enqueue_dma source(%dma_start3A_1066 : memref<32x128xf32, #tpu.memory_space<hbm>>) target(%dma_start3A_1064 : memref<32x128xf32, #tpu.memory_space<vmem>>) target_semaphore(%arg11 : memref<!tpu.dma_semaphore, #tpu.memory_space<semaphore_mem>>)
        %slice3A_1067 = vector.extract_strided_slice %get3A_1047 {offsets = [0], sizes = [1], strides = [1]} : vector<16xi32> to vector<1xi32>
        %squeeze3A_1068 = vector.extract %slice3A_1067[0] : i32 from vector<1xi32>
        %and3A_1069 = arith.constant 127 : i32
        %and3A_1070 = arith.andi %squeeze3A_1068, %and3A_1069 : i32
        %sub3A_1071 = arith.subi %squeeze3A_1068, %and3A_1070 : i32
        %multiple_of3A_1072 = tpu.assume_multiple %sub3A_1071, 128 : i32
        %dma_start3A_1073 = arith.constant 1 : i32
        %dma_start3A_1074 = arith.constant 0 : i32
        %dma_start3A_1075 = arith.constant 0 : i32
        %dma_start3A_1076 = tpu.memref_slice %arg9[%dma_start3A_1073, %dma_start3A_1074, %dma_start3A_1075] : memref<16x32x128xf32, #tpu.memory_space<vmem>> -> memref<1x32x128xf32, #tpu.memory_space<vmem>>
        %dma_start3A_1077 = tpu.memref_squeeze %dma_start3A_1076 : memref<1x32x128xf32, #tpu.memory_space<vmem>> -> memref<32x128xf32, #tpu.memory_space<vmem>>
        %dma_start3A_1078 = arith.constant 0 : i32
        %dma_start3A_1079 = tpu.memref_slice %arg5[%dma_start3A_1078, %multiple_of3A_1072] : memref<32x1000000xf32, #tpu.memory_space<hbm>> -> memref<32x128xf32, #tpu.memory_space<hbm>>
        %dma_start3A_1080 = arith.constant 0 : i32
        %dma_start3A_1081 = arith.constant 0 : i32
        %dma_start3A_1082 = tpu.memref_slice %arg9[%dma_start3A_1073, %dma_start3A_1080, %dma_start3A_1081] : memref<16x32x128xf32, #tpu.memory_space<vmem>> -> memref<1x32x128xf32, #tpu.memory_space<vmem>>
        %dma_start3A_1083 = tpu.memref_squeeze %dma_start3A_1082 : memref<1x32x128xf32, #tpu.memory_space<vmem>> -> memref<32x128xf32, #tpu.memory_space<vmem>>
        %dma_start3A_1084 = arith.constant 0 : i32
        %dma_start3A_1085 = tpu.memref_slice %arg5[%dma_start3A_1084, %multiple_of3A_1072] : memref<32x1000000xf32, #tpu.memory_space<hbm>> -> memref<32x128xf32, #tpu.memory_space<hbm>>
        tpu.enqueue_dma source(%dma_start3A_1085 : memref<32x128xf32, #tpu.memory_space<hbm>>) target(%dma_start3A_1083 : memref<32x128xf32, #tpu.memory_space<vmem>>) target_semaphore(%arg11 : memref<!tpu.dma_semaphore, #tpu.memory_space<semaphore_mem>>)
      } else {
      }
      %dma_wait3A_405 = arith.constant 2 : i32
      %dma_wait3A_406 = arith.constant 0 : i32
      %dma_wait3A_407 = arith.constant 0 : i32
      %dma_wait3A_408 = tpu.memref_slice %arg9[%dma_wait3A_405, %dma_wait3A_406, %dma_wait3A_407] : memref<16x32x128xf32, #tpu.memory_space<vmem>> -> memref<1x32x128xf32, #tpu.memory_space<vmem>>
      %dma_wait3A_409 = tpu.memref_squeeze %dma_wait3A_408 : memref<1x32x128xf32, #tpu.memory_space<vmem>> -> memref<32x128xf32, #tpu.memory_space<vmem>>
      %dma_wait3A_410 = arith.constant 0 : i32
      %dma_wait3A_411 = arith.constant 0 : i32
      %dma_wait3A_412 = tpu.memref_slice %arg4[%dma_wait3A_410, %dma_wait3A_411] : memref<32x1000000xf32, #tpu.memory_space<hbm>> -> memref<32x128xf32, #tpu.memory_space<hbm>>
      %dma_wait3A_413 = arith.constant 0 : i32
      %dma_wait3A_414 = arith.constant 0 : i32
      %dma_wait3A_415 = tpu.memref_slice %arg9[%dma_wait3A_405, %dma_wait3A_413, %dma_wait3A_414] : memref<16x32x128xf32, #tpu.memory_space<vmem>> -> memref<1x32x128xf32, #tpu.memory_space<vmem>>
      %dma_wait3A_416 = tpu.memref_squeeze %dma_wait3A_415 : memref<1x32x128xf32, #tpu.memory_space<vmem>> -> memref<32x128xf32, #tpu.memory_space<vmem>>
      %dma_wait3A_417 = arith.constant 0 : i32
      %dma_wait3A_418 = arith.constant 0 : i32
      %dma_wait3A_419 = tpu.memref_slice %arg4[%dma_wait3A_417, %dma_wait3A_418] : memref<32x1000000xf32, #tpu.memory_space<hbm>> -> memref<32x128xf32, #tpu.memory_space<hbm>>
      tpu.wait_dma2 semaphore(%arg12 : memref<!tpu.dma_semaphore, #tpu.memory_space<semaphore_mem>>) src(%dma_wait3A_419 : memref<32x128xf32, #tpu.memory_space<hbm>>) dst(%dma_wait3A_416 : memref<32x128xf32, #tpu.memory_space<vmem>>)
      %dma_wait3A_420 = arith.constant 3 : i32
      %dma_wait3A_421 = arith.constant 0 : i32
      %dma_wait3A_422 = arith.constant 0 : i32
      %dma_wait3A_423 = tpu.memref_slice %arg9[%dma_wait3A_420, %dma_wait3A_421, %dma_wait3A_422] : memref<16x32x128xf32, #tpu.memory_space<vmem>> -> memref<1x32x128xf32, #tpu.memory_space<vmem>>
      %dma_wait3A_424 = tpu.memref_squeeze %dma_wait3A_423 : memref<1x32x128xf32, #tpu.memory_space<vmem>> -> memref<32x128xf32, #tpu.memory_space<vmem>>
      %dma_wait3A_425 = arith.constant 0 : i32
      %dma_wait3A_426 = arith.constant 0 : i32
      %dma_wait3A_427 = tpu.memref_slice %arg4[%dma_wait3A_425, %dma_wait3A_426] : memref<32x1000000xf32, #tpu.memory_space<hbm>> -> memref<32x128xf32, #tpu.memory_space<hbm>>
      %dma_wait3A_428 = arith.constant 0 : i32
      %dma_wait3A_429 = arith.constant 0 : i32
      %dma_wait3A_430 = tpu.memref_slice %arg9[%dma_wait3A_420, %dma_wait3A_428, %dma_wait3A_429] : memref<16x32x128xf32, #tpu.memory_space<vmem>> -> memref<1x32x128xf32, #tpu.memory_space<vmem>>
      %dma_wait3A_431 = tpu.memref_squeeze %dma_wait3A_430 : memref<1x32x128xf32, #tpu.memory_space<vmem>> -> memref<32x128xf32, #tpu.memory_space<vmem>>
      %dma_wait3A_432 = arith.constant 0 : i32
      %dma_wait3A_433 = arith.constant 0 : i32
      %dma_wait3A_434 = tpu.memref_slice %arg4[%dma_wait3A_432, %dma_wait3A_433] : memref<32x1000000xf32, #tpu.memory_space<hbm>> -> memref<32x128xf32, #tpu.memory_space<hbm>>
      tpu.wait_dma2 semaphore(%arg12 : memref<!tpu.dma_semaphore, #tpu.memory_space<semaphore_mem>>) src(%dma_wait3A_434 : memref<32x128xf32, #tpu.memory_space<hbm>>) dst(%dma_wait3A_431 : memref<32x128xf32, #tpu.memory_space<vmem>>)
      %add3A_435 = arith.constant 1 : i32
      %add3A_436 = arith.addi %mul3A_302, %add3A_435 : i32
      %mul3A_437 = arith.constant 1 : i32
      %mul3A_438 = arith.muli %add3A_436, %mul3A_437 : i32
      %get3A_439 = arith.index_cast %mul3A_438 : i32 to index
      %get3A_440 = tpu.vector_load %arg7[%get3A_439] {strides = array<i32>} : memref<528xi32, #tpu.memory_space<vmem>>, vector<16xi32>,
      %mul3A_441 = arith.constant 1 : i32
      %mul3A_442 = arith.muli %add3A_436, %mul3A_441 : i32
      %get3A_443 = arith.index_cast %mul3A_442 : i32 to index
      %get3A_444 = tpu.vector_load %arg8[%get3A_443] {strides = array<i32>} : memref<528xi32, #tpu.memory_space<vmem>>, vector<16xi32>,
      %slice3A_445 = vector.extract_strided_slice %get3A_440 {offsets = [0], sizes = [1], strides = [1]} : vector<16xi32> to vector<1xi32>
      %squeeze3A_446 = vector.extract %slice3A_445[0] : i32 from vector<1xi32>
      %and3A_447 = arith.constant 127 : i32
      %and3A_448 = arith.andi %squeeze3A_446, %and3A_447 : i32
      %broadcast_in_dim3A_449 = vector.broadcast %and3A_448 : i32 to vector<16xi32>
      %slice3A_450 = vector.extract_strided_slice %get3A_444 {offsets = [0], sizes = [1], strides = [1]} : vector<16xi32> to vector<1xi32>
      %squeeze3A_451 = vector.extract %slice3A_450[0] : i32 from vector<1xi32>
      %and3A_452 = arith.constant 127 : i32
      %and3A_453 = arith.andi %squeeze3A_451, %and3A_452 : i32
      %broadcast_in_dim3A_454 = vector.broadcast %and3A_453 : i32 to vector<16xi32>
      %broadcast_in_dim3A_455 = arith.constant 2 : i32
      %broadcast_in_dim3A_456 = vector.broadcast %broadcast_in_dim3A_455 : i32 to vector<16xi32>
      %broadcast_in_dim3A_457 = arith.constant 3 : i32
      %broadcast_in_dim3A_458 = vector.broadcast %broadcast_in_dim3A_457 : i32 to vector<16xi32>
      %gather3A_459 = tpu.vector_load_idx %arg9[%broadcast_in_dim3A_456, %iota3A, %broadcast_in_dim3A_449] : memref<16x32x128xf32, #tpu.memory_space<vmem>>[vector<16xi32>, vector<16xi32>, vector<16xi32>], vector<16xf32>,
      %gather3A_460 = tpu.vector_load_idx %arg9[%broadcast_in_dim3A_456, %add3A_5, %broadcast_in_dim3A_449] : memref<16x32x128xf32, #tpu.memory_space<vmem>>[vector<16xi32>, vector<16xi32>, vector<16xi32>], vector<16xf32>,
      %gather3A_461 = tpu.vector_load_idx %arg9[%broadcast_in_dim3A_458, %iota3A, %broadcast_in_dim3A_454] : memref<16x32x128xf32, #tpu.memory_space<vmem>>[vector<16xi32>, vector<16xi32>, vector<16xi32>], vector<16xf32>,
      %gather3A_462 = tpu.vector_load_idx %arg9[%broadcast_in_dim3A_458, %add3A_5, %broadcast_in_dim3A_454] : memref<16x32x128xf32, #tpu.memory_space<vmem>>[vector<16xi32>, vector<16xi32>, vector<16xi32>], vector<16xf32>,
      %add3A_463 = arith.addf %gather3A_459, %gather3A_461 : vector<16xf32>
      %mul3A_464 = arith.mulf %gather3A_459, %gather3A_461 : vector<16xf32>
      %add3A_465 = arith.addf %add3A_463, %mul3A_464 : vector<16xf32>
      %add3A_466 = arith.addf %gather3A_460, %gather3A_462 : vector<16xf32>
      %mul3A_467 = arith.mulf %gather3A_460, %gather3A_462 : vector<16xf32>
      %add3A_468 = arith.addf %add3A_466, %mul3A_467 : vector<16xf32>
      %add3A_469 = arith.addf %add3A_465, %add3A_468 : vector<16xf32>
      %add3A_470 = arith.constant 1 : i32
      %add3A_471 = arith.addi %mul3A_314, %add3A_470 : i32
      %add3A_472 = arith.constant 0 : i32
      %add3A_473 = arith.addi %add3A_471, %add3A_472 : i32
      %eq3A_474 = vector.broadcast %add3A_473 : i32 to vector<16xi32>
      %eq3A_475 = arith.cmpi eq, %iota3A, %eq3A_474 : vector<16xi32>
      %reduce_sum3A_476 = arith.constant true
      %reduce_sum3A_477 = vector.broadcast %reduce_sum3A_476 : i1 to vector<16xi1>
      %reduce_sum3A_478 = tpu.scan <sum>, %add3A_469 masked %reduce_sum3A_477 : vector<16xf32>, vector<16xi1> -> vector<16xf32>
      %reduce_sum3A_479 = vector.extract %reduce_sum3A_478[15] : f32 from vector<16xf32>
      %broadcast_in_dim3A_480 = vector.broadcast %reduce_sum3A_479 : f32 to vector<16xf32>
      %select_n3A_481 = arith.select %eq3A_475, %broadcast_in_dim3A_480, %select_n3A_395 : vector<16xi1>, vector<16xf32>
      %add3A_482 = arith.constant 2 : i32
      %add3A_483 = arith.addi %mul3A_302, %add3A_482 : i32
      %add3A_484 = arith.constant 7 : i32
      %add3A_485 = arith.addi %add3A_483, %add3A_484 : i32
      %lt3A_486 = arith.constant 512 : i32
      %lt3A_487 = arith.cmpi slt, %add3A_485, %lt3A_486 : i32
      %convert_element_type3A_488 = arith.extui %lt3A_487 : i1 to i32
      %cond3A_489 = arith.constant 0 : i32
      %cond3A_490 = arith.cmpi ne, %convert_element_type3A_488, %cond3A_489 : i32
      scf.if %cond3A_490 {
        %mul3A_1040 = arith.constant 1 : i32
        %mul3A_1041 = arith.muli %add3A_485, %mul3A_1040 : i32
        %get3A_1042 = arith.index_cast %mul3A_1041 : i32 to index
        %get3A_1043 = tpu.vector_load %arg7[%get3A_1042] {strides = array<i32>} : memref<528xi32, #tpu.memory_space<vmem>>, vector<16xi32>,
        %mul3A_1044 = arith.constant 1 : i32
        %mul3A_1045 = arith.muli %add3A_485, %mul3A_1044 : i32
        %get3A_1046 = arith.index_cast %mul3A_1045 : i32 to index
        %get3A_1047 = tpu.vector_load %arg8[%get3A_1046] {strides = array<i32>} : memref<528xi32, #tpu.memory_space<vmem>>, vector<16xi32>,
        %slice3A_1048 = vector.extract_strided_slice %get3A_1043 {offsets = [0], sizes = [1], strides = [1]} : vector<16xi32> to vector<1xi32>
        %squeeze3A_1049 = vector.extract %slice3A_1048[0] : i32 from vector<1xi32>
        %and3A_1050 = arith.constant 127 : i32
        %and3A_1051 = arith.andi %squeeze3A_1049, %and3A_1050 : i32
        %sub3A_1052 = arith.subi %squeeze3A_1049, %and3A_1051 : i32
        %multiple_of3A_1053 = tpu.assume_multiple %sub3A_1052, 128 : i32
        %dma_start3A_1054 = arith.constant 2 : i32
        %dma_start3A_1055 = arith.constant 0 : i32
        %dma_start3A_1056 = arith.constant 0 : i32
        %dma_start3A_1057 = tpu.memref_slice %arg9[%dma_start3A_1054, %dma_start3A_1055, %dma_start3A_1056] : memref<16x32x128xf32, #tpu.memory_space<vmem>> -> memref<1x32x128xf32, #tpu.memory_space<vmem>>
        %dma_start3A_1058 = tpu.memref_squeeze %dma_start3A_1057 : memref<1x32x128xf32, #tpu.memory_space<vmem>> -> memref<32x128xf32, #tpu.memory_space<vmem>>
        %dma_start3A_1059 = arith.constant 0 : i32
        %dma_start3A_1060 = tpu.memref_slice %arg4[%dma_start3A_1059, %multiple_of3A_1053] : memref<32x1000000xf32, #tpu.memory_space<hbm>> -> memref<32x128xf32, #tpu.memory_space<hbm>>
        %dma_start3A_1061 = arith.constant 0 : i32
        %dma_start3A_1062 = arith.constant 0 : i32
        %dma_start3A_1063 = tpu.memref_slice %arg9[%dma_start3A_1054, %dma_start3A_1061, %dma_start3A_1062] : memref<16x32x128xf32, #tpu.memory_space<vmem>> -> memref<1x32x128xf32, #tpu.memory_space<vmem>>
        %dma_start3A_1064 = tpu.memref_squeeze %dma_start3A_1063 : memref<1x32x128xf32, #tpu.memory_space<vmem>> -> memref<32x128xf32, #tpu.memory_space<vmem>>
        %dma_start3A_1065 = arith.constant 0 : i32
        %dma_start3A_1066 = tpu.memref_slice %arg4[%dma_start3A_1065, %multiple_of3A_1053] : memref<32x1000000xf32, #tpu.memory_space<hbm>> -> memref<32x128xf32, #tpu.memory_space<hbm>>
        tpu.enqueue_dma source(%dma_start3A_1066 : memref<32x128xf32, #tpu.memory_space<hbm>>) target(%dma_start3A_1064 : memref<32x128xf32, #tpu.memory_space<vmem>>) target_semaphore(%arg12 : memref<!tpu.dma_semaphore, #tpu.memory_space<semaphore_mem>>)
        %slice3A_1067 = vector.extract_strided_slice %get3A_1047 {offsets = [0], sizes = [1], strides = [1]} : vector<16xi32> to vector<1xi32>
        %squeeze3A_1068 = vector.extract %slice3A_1067[0] : i32 from vector<1xi32>
        %and3A_1069 = arith.constant 127 : i32
        %and3A_1070 = arith.andi %squeeze3A_1068, %and3A_1069 : i32
        %sub3A_1071 = arith.subi %squeeze3A_1068, %and3A_1070 : i32
        %multiple_of3A_1072 = tpu.assume_multiple %sub3A_1071, 128 : i32
        %dma_start3A_1073 = arith.constant 3 : i32
        %dma_start3A_1074 = arith.constant 0 : i32
        %dma_start3A_1075 = arith.constant 0 : i32
        %dma_start3A_1076 = tpu.memref_slice %arg9[%dma_start3A_1073, %dma_start3A_1074, %dma_start3A_1075] : memref<16x32x128xf32, #tpu.memory_space<vmem>> -> memref<1x32x128xf32, #tpu.memory_space<vmem>>
        %dma_start3A_1077 = tpu.memref_squeeze %dma_start3A_1076 : memref<1x32x128xf32, #tpu.memory_space<vmem>> -> memref<32x128xf32, #tpu.memory_space<vmem>>
        %dma_start3A_1078 = arith.constant 0 : i32
        %dma_start3A_1079 = tpu.memref_slice %arg5[%dma_start3A_1078, %multiple_of3A_1072] : memref<32x1000000xf32, #tpu.memory_space<hbm>> -> memref<32x128xf32, #tpu.memory_space<hbm>>
        %dma_start3A_1080 = arith.constant 0 : i32
        %dma_start3A_1081 = arith.constant 0 : i32
        %dma_start3A_1082 = tpu.memref_slice %arg9[%dma_start3A_1073, %dma_start3A_1080, %dma_start3A_1081] : memref<16x32x128xf32, #tpu.memory_space<vmem>> -> memref<1x32x128xf32, #tpu.memory_space<vmem>>
        %dma_start3A_1083 = tpu.memref_squeeze %dma_start3A_1082 : memref<1x32x128xf32, #tpu.memory_space<vmem>> -> memref<32x128xf32, #tpu.memory_space<vmem>>
        %dma_start3A_1084 = arith.constant 0 : i32
        %dma_start3A_1085 = tpu.memref_slice %arg5[%dma_start3A_1084, %multiple_of3A_1072] : memref<32x1000000xf32, #tpu.memory_space<hbm>> -> memref<32x128xf32, #tpu.memory_space<hbm>>
        tpu.enqueue_dma source(%dma_start3A_1085 : memref<32x128xf32, #tpu.memory_space<hbm>>) target(%dma_start3A_1083 : memref<32x128xf32, #tpu.memory_space<vmem>>) target_semaphore(%arg12 : memref<!tpu.dma_semaphore, #tpu.memory_space<semaphore_mem>>)
      } else {
      }
      %dma_wait3A_491 = arith.constant 4 : i32
      %dma_wait3A_492 = arith.constant 0 : i32
      %dma_wait3A_493 = arith.constant 0 : i32
      %dma_wait3A_494 = tpu.memref_slice %arg9[%dma_wait3A_491, %dma_wait3A_492, %dma_wait3A_493] : memref<16x32x128xf32, #tpu.memory_space<vmem>> -> memref<1x32x128xf32, #tpu.memory_space<vmem>>
      %dma_wait3A_495 = tpu.memref_squeeze %dma_wait3A_494 : memref<1x32x128xf32, #tpu.memory_space<vmem>> -> memref<32x128xf32, #tpu.memory_space<vmem>>
      %dma_wait3A_496 = arith.constant 0 : i32
      %dma_wait3A_497 = arith.constant 0 : i32
      %dma_wait3A_498 = tpu.memref_slice %arg4[%dma_wait3A_496, %dma_wait3A_497] : memref<32x1000000xf32, #tpu.memory_space<hbm>> -> memref<32x128xf32, #tpu.memory_space<hbm>>
      %dma_wait3A_499 = arith.constant 0 : i32
      %dma_wait3A_500 = arith.constant 0 : i32
      %dma_wait3A_501 = tpu.memref_slice %arg9[%dma_wait3A_491, %dma_wait3A_499, %dma_wait3A_500] : memref<16x32x128xf32, #tpu.memory_space<vmem>> -> memref<1x32x128xf32, #tpu.memory_space<vmem>>
      %dma_wait3A_502 = tpu.memref_squeeze %dma_wait3A_501 : memref<1x32x128xf32, #tpu.memory_space<vmem>> -> memref<32x128xf32, #tpu.memory_space<vmem>>
      %dma_wait3A_503 = arith.constant 0 : i32
      %dma_wait3A_504 = arith.constant 0 : i32
      %dma_wait3A_505 = tpu.memref_slice %arg4[%dma_wait3A_503, %dma_wait3A_504] : memref<32x1000000xf32, #tpu.memory_space<hbm>> -> memref<32x128xf32, #tpu.memory_space<hbm>>
      tpu.wait_dma2 semaphore(%arg13 : memref<!tpu.dma_semaphore, #tpu.memory_space<semaphore_mem>>) src(%dma_wait3A_505 : memref<32x128xf32, #tpu.memory_space<hbm>>) dst(%dma_wait3A_502 : memref<32x128xf32, #tpu.memory_space<vmem>>)
      %dma_wait3A_506 = arith.constant 5 : i32
      %dma_wait3A_507 = arith.constant 0 : i32
      %dma_wait3A_508 = arith.constant 0 : i32
      %dma_wait3A_509 = tpu.memref_slice %arg9[%dma_wait3A_506, %dma_wait3A_507, %dma_wait3A_508] : memref<16x32x128xf32, #tpu.memory_space<vmem>> -> memref<1x32x128xf32, #tpu.memory_space<vmem>>
      %dma_wait3A_510 = tpu.memref_squeeze %dma_wait3A_509 : memref<1x32x128xf32, #tpu.memory_space<vmem>> -> memref<32x128xf32, #tpu.memory_space<vmem>>
      %dma_wait3A_511 = arith.constant 0 : i32
      %dma_wait3A_512 = arith.constant 0 : i32
      %dma_wait3A_513 = tpu.memref_slice %arg4[%dma_wait3A_511, %dma_wait3A_512] : memref<32x1000000xf32, #tpu.memory_space<hbm>> -> memref<32x128xf32, #tpu.memory_space<hbm>>
      %dma_wait3A_514 = arith.constant 0 : i32
      %dma_wait3A_515 = arith.constant 0 : i32
      %dma_wait3A_516 = tpu.memref_slice %arg9[%dma_wait3A_506, %dma_wait3A_514, %dma_wait3A_515] : memref<16x32x128xf32, #tpu.memory_space<vmem>> -> memref<1x32x128xf32, #tpu.memory_space<vmem>>
      %dma_wait3A_517 = tpu.memref_squeeze %dma_wait3A_516 : memref<1x32x128xf32, #tpu.memory_space<vmem>> -> memref<32x128xf32, #tpu.memory_space<vmem>>
      %dma_wait3A_518 = arith.constant 0 : i32
      %dma_wait3A_519 = arith.constant 0 : i32
      %dma_wait3A_520 = tpu.memref_slice %arg4[%dma_wait3A_518, %dma_wait3A_519] : memref<32x1000000xf32, #tpu.memory_space<hbm>> -> memref<32x128xf32, #tpu.memory_space<hbm>>
      tpu.wait_dma2 semaphore(%arg13 : memref<!tpu.dma_semaphore, #tpu.memory_space<semaphore_mem>>) src(%dma_wait3A_520 : memref<32x128xf32, #tpu.memory_space<hbm>>) dst(%dma_wait3A_517 : memref<32x128xf32, #tpu.memory_space<vmem>>)
      %add3A_521 = arith.constant 2 : i32
      %add3A_522 = arith.addi %mul3A_302, %add3A_521 : i32
      %mul3A_523 = arith.constant 1 : i32
      %mul3A_524 = arith.muli %add3A_522, %mul3A_523 : i32
      %get3A_525 = arith.index_cast %mul3A_524 : i32 to index
      %get3A_526 = tpu.vector_load %arg7[%get3A_525] {strides = array<i32>} : memref<528xi32, #tpu.memory_space<vmem>>, vector<16xi32>,
      %mul3A_527 = arith.constant 1 : i32
      %mul3A_528 = arith.muli %add3A_522, %mul3A_527 : i32
      %get3A_529 = arith.index_cast %mul3A_528 : i32 to index
      %get3A_530 = tpu.vector_load %arg8[%get3A_529] {strides = array<i32>} : memref<528xi32, #tpu.memory_space<vmem>>, vector<16xi32>,
      %slice3A_531 = vector.extract_strided_slice %get3A_526 {offsets = [0], sizes = [1], strides = [1]} : vector<16xi32> to vector<1xi32>
      %squeeze3A_532 = vector.extract %slice3A_531[0] : i32 from vector<1xi32>
      %and3A_533 = arith.constant 127 : i32
      %and3A_534 = arith.andi %squeeze3A_532, %and3A_533 : i32
      %broadcast_in_dim3A_535 = vector.broadcast %and3A_534 : i32 to vector<16xi32>
      %slice3A_536 = vector.extract_strided_slice %get3A_530 {offsets = [0], sizes = [1], strides = [1]} : vector<16xi32> to vector<1xi32>
      %squeeze3A_537 = vector.extract %slice3A_536[0] : i32 from vector<1xi32>
      %and3A_538 = arith.constant 127 : i32
      %and3A_539 = arith.andi %squeeze3A_537, %and3A_538 : i32
      %broadcast_in_dim3A_540 = vector.broadcast %and3A_539 : i32 to vector<16xi32>
      %broadcast_in_dim3A_541 = arith.constant 4 : i32
      %broadcast_in_dim3A_542 = vector.broadcast %broadcast_in_dim3A_541 : i32 to vector<16xi32>
      %broadcast_in_dim3A_543 = arith.constant 5 : i32
      %broadcast_in_dim3A_544 = vector.broadcast %broadcast_in_dim3A_543 : i32 to vector<16xi32>
      %gather3A_545 = tpu.vector_load_idx %arg9[%broadcast_in_dim3A_542, %iota3A, %broadcast_in_dim3A_535] : memref<16x32x128xf32, #tpu.memory_space<vmem>>[vector<16xi32>, vector<16xi32>, vector<16xi32>], vector<16xf32>,
      %gather3A_546 = tpu.vector_load_idx %arg9[%broadcast_in_dim3A_542, %add3A_5, %broadcast_in_dim3A_535] : memref<16x32x128xf32, #tpu.memory_space<vmem>>[vector<16xi32>, vector<16xi32>, vector<16xi32>], vector<16xf32>,
      %gather3A_547 = tpu.vector_load_idx %arg9[%broadcast_in_dim3A_544, %iota3A, %broadcast_in_dim3A_540] : memref<16x32x128xf32, #tpu.memory_space<vmem>>[vector<16xi32>, vector<16xi32>, vector<16xi32>], vector<16xf32>,
      %gather3A_548 = tpu.vector_load_idx %arg9[%broadcast_in_dim3A_544, %add3A_5, %broadcast_in_dim3A_540] : memref<16x32x128xf32, #tpu.memory_space<vmem>>[vector<16xi32>, vector<16xi32>, vector<16xi32>], vector<16xf32>,
      %add3A_549 = arith.addf %gather3A_545, %gather3A_547 : vector<16xf32>
      %mul3A_550 = arith.mulf %gather3A_545, %gather3A_547 : vector<16xf32>
      %add3A_551 = arith.addf %add3A_549, %mul3A_550 : vector<16xf32>
      %add3A_552 = arith.addf %gather3A_546, %gather3A_548 : vector<16xf32>
      %mul3A_553 = arith.mulf %gather3A_546, %gather3A_548 : vector<16xf32>
      %add3A_554 = arith.addf %add3A_552, %mul3A_553 : vector<16xf32>
      %add3A_555 = arith.addf %add3A_551, %add3A_554 : vector<16xf32>
      %add3A_556 = arith.constant 2 : i32
      %add3A_557 = arith.addi %mul3A_314, %add3A_556 : i32
      %add3A_558 = arith.constant 0 : i32
      %add3A_559 = arith.addi %add3A_557, %add3A_558 : i32
      %eq3A_560 = vector.broadcast %add3A_559 : i32 to vector<16xi32>
      %eq3A_561 = arith.cmpi eq, %iota3A, %eq3A_560 : vector<16xi32>
      %reduce_sum3A_562 = arith.constant true
      %reduce_sum3A_563 = vector.broadcast %reduce_sum3A_562 : i1 to vector<16xi1>
      %reduce_sum3A_564 = tpu.scan <sum>, %add3A_555 masked %reduce_sum3A_563 : vector<16xf32>, vector<16xi1> -> vector<16xf32>
      %reduce_sum3A_565 = vector.extract %reduce_sum3A_564[15] : f32 from vector<16xf32>
      %broadcast_in_dim3A_566 = vector.broadcast %reduce_sum3A_565 : f32 to vector<16xf32>
      %select_n3A_567 = arith.select %eq3A_561, %broadcast_in_dim3A_566, %select_n3A_481 : vector<16xi1>, vector<16xf32>
      %add3A_568 = arith.constant 3 : i32
      %add3A_569 = arith.addi %mul3A_302, %add3A_568 : i32
      %add3A_570 = arith.constant 7 : i32
      %add3A_571 = arith.addi %add3A_569, %add3A_570 : i32
      %lt3A_572 = arith.constant 512 : i32
      %lt3A_573 = arith.cmpi slt, %add3A_571, %lt3A_572 : i32
      %convert_element_type3A_574 = arith.extui %lt3A_573 : i1 to i32
      %cond3A_575 = arith.constant 0 : i32
      %cond3A_576 = arith.cmpi ne, %convert_element_type3A_574, %cond3A_575 : i32
      scf.if %cond3A_576 {
        %mul3A_1040 = arith.constant 1 : i32
        %mul3A_1041 = arith.muli %add3A_571, %mul3A_1040 : i32
        %get3A_1042 = arith.index_cast %mul3A_1041 : i32 to index
        %get3A_1043 = tpu.vector_load %arg7[%get3A_1042] {strides = array<i32>} : memref<528xi32, #tpu.memory_space<vmem>>, vector<16xi32>,
        %mul3A_1044 = arith.constant 1 : i32
        %mul3A_1045 = arith.muli %add3A_571, %mul3A_1044 : i32
        %get3A_1046 = arith.index_cast %mul3A_1045 : i32 to index
        %get3A_1047 = tpu.vector_load %arg8[%get3A_1046] {strides = array<i32>} : memref<528xi32, #tpu.memory_space<vmem>>, vector<16xi32>,
        %slice3A_1048 = vector.extract_strided_slice %get3A_1043 {offsets = [0], sizes = [1], strides = [1]} : vector<16xi32> to vector<1xi32>
        %squeeze3A_1049 = vector.extract %slice3A_1048[0] : i32 from vector<1xi32>
        %and3A_1050 = arith.constant 127 : i32
        %and3A_1051 = arith.andi %squeeze3A_1049, %and3A_1050 : i32
        %sub3A_1052 = arith.subi %squeeze3A_1049, %and3A_1051 : i32
        %multiple_of3A_1053 = tpu.assume_multiple %sub3A_1052, 128 : i32
        %dma_start3A_1054 = arith.constant 4 : i32
        %dma_start3A_1055 = arith.constant 0 : i32
        %dma_start3A_1056 = arith.constant 0 : i32
        %dma_start3A_1057 = tpu.memref_slice %arg9[%dma_start3A_1054, %dma_start3A_1055, %dma_start3A_1056] : memref<16x32x128xf32, #tpu.memory_space<vmem>> -> memref<1x32x128xf32, #tpu.memory_space<vmem>>
        %dma_start3A_1058 = tpu.memref_squeeze %dma_start3A_1057 : memref<1x32x128xf32, #tpu.memory_space<vmem>> -> memref<32x128xf32, #tpu.memory_space<vmem>>
        %dma_start3A_1059 = arith.constant 0 : i32
        %dma_start3A_1060 = tpu.memref_slice %arg4[%dma_start3A_1059, %multiple_of3A_1053] : memref<32x1000000xf32, #tpu.memory_space<hbm>> -> memref<32x128xf32, #tpu.memory_space<hbm>>
        %dma_start3A_1061 = arith.constant 0 : i32
        %dma_start3A_1062 = arith.constant 0 : i32
        %dma_start3A_1063 = tpu.memref_slice %arg9[%dma_start3A_1054, %dma_start3A_1061, %dma_start3A_1062] : memref<16x32x128xf32, #tpu.memory_space<vmem>> -> memref<1x32x128xf32, #tpu.memory_space<vmem>>
        %dma_start3A_1064 = tpu.memref_squeeze %dma_start3A_1063 : memref<1x32x128xf32, #tpu.memory_space<vmem>> -> memref<32x128xf32, #tpu.memory_space<vmem>>
        %dma_start3A_1065 = arith.constant 0 : i32
        %dma_start3A_1066 = tpu.memref_slice %arg4[%dma_start3A_1065, %multiple_of3A_1053] : memref<32x1000000xf32, #tpu.memory_space<hbm>> -> memref<32x128xf32, #tpu.memory_space<hbm>>
        tpu.enqueue_dma source(%dma_start3A_1066 : memref<32x128xf32, #tpu.memory_space<hbm>>) target(%dma_start3A_1064 : memref<32x128xf32, #tpu.memory_space<vmem>>) target_semaphore(%arg13 : memref<!tpu.dma_semaphore, #tpu.memory_space<semaphore_mem>>)
        %slice3A_1067 = vector.extract_strided_slice %get3A_1047 {offsets = [0], sizes = [1], strides = [1]} : vector<16xi32> to vector<1xi32>
        %squeeze3A_1068 = vector.extract %slice3A_1067[0] : i32 from vector<1xi32>
        %and3A_1069 = arith.constant 127 : i32
        %and3A_1070 = arith.andi %squeeze3A_1068, %and3A_1069 : i32
        %sub3A_1071 = arith.subi %squeeze3A_1068, %and3A_1070 : i32
        %multiple_of3A_1072 = tpu.assume_multiple %sub3A_1071, 128 : i32
        %dma_start3A_1073 = arith.constant 5 : i32
        %dma_start3A_1074 = arith.constant 0 : i32
        %dma_start3A_1075 = arith.constant 0 : i32
        %dma_start3A_1076 = tpu.memref_slice %arg9[%dma_start3A_1073, %dma_start3A_1074, %dma_start3A_1075] : memref<16x32x128xf32, #tpu.memory_space<vmem>> -> memref<1x32x128xf32, #tpu.memory_space<vmem>>
        %dma_start3A_1077 = tpu.memref_squeeze %dma_start3A_1076 : memref<1x32x128xf32, #tpu.memory_space<vmem>> -> memref<32x128xf32, #tpu.memory_space<vmem>>
        %dma_start3A_1078 = arith.constant 0 : i32
        %dma_start3A_1079 = tpu.memref_slice %arg5[%dma_start3A_1078, %multiple_of3A_1072] : memref<32x1000000xf32, #tpu.memory_space<hbm>> -> memref<32x128xf32, #tpu.memory_space<hbm>>
        %dma_start3A_1080 = arith.constant 0 : i32
        %dma_start3A_1081 = arith.constant 0 : i32
        %dma_start3A_1082 = tpu.memref_slice %arg9[%dma_start3A_1073, %dma_start3A_1080, %dma_start3A_1081] : memref<16x32x128xf32, #tpu.memory_space<vmem>> -> memref<1x32x128xf32, #tpu.memory_space<vmem>>
        %dma_start3A_1083 = tpu.memref_squeeze %dma_start3A_1082 : memref<1x32x128xf32, #tpu.memory_space<vmem>> -> memref<32x128xf32, #tpu.memory_space<vmem>>
        %dma_start3A_1084 = arith.constant 0 : i32
        %dma_start3A_1085 = tpu.memref_slice %arg5[%dma_start3A_1084, %multiple_of3A_1072] : memref<32x1000000xf32, #tpu.memory_space<hbm>> -> memref<32x128xf32, #tpu.memory_space<hbm>>
        tpu.enqueue_dma source(%dma_start3A_1085 : memref<32x128xf32, #tpu.memory_space<hbm>>) target(%dma_start3A_1083 : memref<32x128xf32, #tpu.memory_space<vmem>>) target_semaphore(%arg13 : memref<!tpu.dma_semaphore, #tpu.memory_space<semaphore_mem>>)
      } else {
      }
      %dma_wait3A_577 = arith.constant 6 : i32
      %dma_wait3A_578 = arith.constant 0 : i32
      %dma_wait3A_579 = arith.constant 0 : i32
      %dma_wait3A_580 = tpu.memref_slice %arg9[%dma_wait3A_577, %dma_wait3A_578, %dma_wait3A_579] : memref<16x32x128xf32, #tpu.memory_space<vmem>> -> memref<1x32x128xf32, #tpu.memory_space<vmem>>
      %dma_wait3A_581 = tpu.memref_squeeze %dma_wait3A_580 : memref<1x32x128xf32, #tpu.memory_space<vmem>> -> memref<32x128xf32, #tpu.memory_space<vmem>>
      %dma_wait3A_582 = arith.constant 0 : i32
      %dma_wait3A_583 = arith.constant 0 : i32
      %dma_wait3A_584 = tpu.memref_slice %arg4[%dma_wait3A_582, %dma_wait3A_583] : memref<32x1000000xf32, #tpu.memory_space<hbm>> -> memref<32x128xf32, #tpu.memory_space<hbm>>
      %dma_wait3A_585 = arith.constant 0 : i32
      %dma_wait3A_586 = arith.constant 0 : i32
      %dma_wait3A_587 = tpu.memref_slice %arg9[%dma_wait3A_577, %dma_wait3A_585, %dma_wait3A_586] : memref<16x32x128xf32, #tpu.memory_space<vmem>> -> memref<1x32x128xf32, #tpu.memory_space<vmem>>
      %dma_wait3A_588 = tpu.memref_squeeze %dma_wait3A_587 : memref<1x32x128xf32, #tpu.memory_space<vmem>> -> memref<32x128xf32, #tpu.memory_space<vmem>>
      %dma_wait3A_589 = arith.constant 0 : i32
      %dma_wait3A_590 = arith.constant 0 : i32
      %dma_wait3A_591 = tpu.memref_slice %arg4[%dma_wait3A_589, %dma_wait3A_590] : memref<32x1000000xf32, #tpu.memory_space<hbm>> -> memref<32x128xf32, #tpu.memory_space<hbm>>
      tpu.wait_dma2 semaphore(%arg14 : memref<!tpu.dma_semaphore, #tpu.memory_space<semaphore_mem>>) src(%dma_wait3A_591 : memref<32x128xf32, #tpu.memory_space<hbm>>) dst(%dma_wait3A_588 : memref<32x128xf32, #tpu.memory_space<vmem>>)
      %dma_wait3A_592 = arith.constant 7 : i32
      %dma_wait3A_593 = arith.constant 0 : i32
      %dma_wait3A_594 = arith.constant 0 : i32
      %dma_wait3A_595 = tpu.memref_slice %arg9[%dma_wait3A_592, %dma_wait3A_593, %dma_wait3A_594] : memref<16x32x128xf32, #tpu.memory_space<vmem>> -> memref<1x32x128xf32, #tpu.memory_space<vmem>>
      %dma_wait3A_596 = tpu.memref_squeeze %dma_wait3A_595 : memref<1x32x128xf32, #tpu.memory_space<vmem>> -> memref<32x128xf32, #tpu.memory_space<vmem>>
      %dma_wait3A_597 = arith.constant 0 : i32
      %dma_wait3A_598 = arith.constant 0 : i32
      %dma_wait3A_599 = tpu.memref_slice %arg4[%dma_wait3A_597, %dma_wait3A_598] : memref<32x1000000xf32, #tpu.memory_space<hbm>> -> memref<32x128xf32, #tpu.memory_space<hbm>>
      %dma_wait3A_600 = arith.constant 0 : i32
      %dma_wait3A_601 = arith.constant 0 : i32
      %dma_wait3A_602 = tpu.memref_slice %arg9[%dma_wait3A_592, %dma_wait3A_600, %dma_wait3A_601] : memref<16x32x128xf32, #tpu.memory_space<vmem>> -> memref<1x32x128xf32, #tpu.memory_space<vmem>>
      %dma_wait3A_603 = tpu.memref_squeeze %dma_wait3A_602 : memref<1x32x128xf32, #tpu.memory_space<vmem>> -> memref<32x128xf32, #tpu.memory_space<vmem>>
      %dma_wait3A_604 = arith.constant 0 : i32
      %dma_wait3A_605 = arith.constant 0 : i32
      %dma_wait3A_606 = tpu.memref_slice %arg4[%dma_wait3A_604, %dma_wait3A_605] : memref<32x1000000xf32, #tpu.memory_space<hbm>> -> memref<32x128xf32, #tpu.memory_space<hbm>>
      tpu.wait_dma2 semaphore(%arg14 : memref<!tpu.dma_semaphore, #tpu.memory_space<semaphore_mem>>) src(%dma_wait3A_606 : memref<32x128xf32, #tpu.memory_space<hbm>>) dst(%dma_wait3A_603 : memref<32x128xf32, #tpu.memory_space<vmem>>)
      %add3A_607 = arith.constant 3 : i32
      %add3A_608 = arith.addi %mul3A_302, %add3A_607 : i32
      %mul3A_609 = arith.constant 1 : i32
      %mul3A_610 = arith.muli %add3A_608, %mul3A_609 : i32
      %get3A_611 = arith.index_cast %mul3A_610 : i32 to index
      %get3A_612 = tpu.vector_load %arg7[%get3A_611] {strides = array<i32>} : memref<528xi32, #tpu.memory_space<vmem>>, vector<16xi32>,
      %mul3A_613 = arith.constant 1 : i32
      %mul3A_614 = arith.muli %add3A_608, %mul3A_613 : i32
      %get3A_615 = arith.index_cast %mul3A_614 : i32 to index
      %get3A_616 = tpu.vector_load %arg8[%get3A_615] {strides = array<i32>} : memref<528xi32, #tpu.memory_space<vmem>>, vector<16xi32>,
      %slice3A_617 = vector.extract_strided_slice %get3A_612 {offsets = [0], sizes = [1], strides = [1]} : vector<16xi32> to vector<1xi32>
      %squeeze3A_618 = vector.extract %slice3A_617[0] : i32 from vector<1xi32>
      %and3A_619 = arith.constant 127 : i32
      %and3A_620 = arith.andi %squeeze3A_618, %and3A_619 : i32
      %broadcast_in_dim3A_621 = vector.broadcast %and3A_620 : i32 to vector<16xi32>
      %slice3A_622 = vector.extract_strided_slice %get3A_616 {offsets = [0], sizes = [1], strides = [1]} : vector<16xi32> to vector<1xi32>
      %squeeze3A_623 = vector.extract %slice3A_622[0] : i32 from vector<1xi32>
      %and3A_624 = arith.constant 127 : i32
      %and3A_625 = arith.andi %squeeze3A_623, %and3A_624 : i32
      %broadcast_in_dim3A_626 = vector.broadcast %and3A_625 : i32 to vector<16xi32>
      %broadcast_in_dim3A_627 = arith.constant 6 : i32
      %broadcast_in_dim3A_628 = vector.broadcast %broadcast_in_dim3A_627 : i32 to vector<16xi32>
      %broadcast_in_dim3A_629 = arith.constant 7 : i32
      %broadcast_in_dim3A_630 = vector.broadcast %broadcast_in_dim3A_629 : i32 to vector<16xi32>
      %gather3A_631 = tpu.vector_load_idx %arg9[%broadcast_in_dim3A_628, %iota3A, %broadcast_in_dim3A_621] : memref<16x32x128xf32, #tpu.memory_space<vmem>>[vector<16xi32>, vector<16xi32>, vector<16xi32>], vector<16xf32>,
      %gather3A_632 = tpu.vector_load_idx %arg9[%broadcast_in_dim3A_628, %add3A_5, %broadcast_in_dim3A_621] : memref<16x32x128xf32, #tpu.memory_space<vmem>>[vector<16xi32>, vector<16xi32>, vector<16xi32>], vector<16xf32>,
      %gather3A_633 = tpu.vector_load_idx %arg9[%broadcast_in_dim3A_630, %iota3A, %broadcast_in_dim3A_626] : memref<16x32x128xf32, #tpu.memory_space<vmem>>[vector<16xi32>, vector<16xi32>, vector<16xi32>], vector<16xf32>,
      %gather3A_634 = tpu.vector_load_idx %arg9[%broadcast_in_dim3A_630, %add3A_5, %broadcast_in_dim3A_626] : memref<16x32x128xf32, #tpu.memory_space<vmem>>[vector<16xi32>, vector<16xi32>, vector<16xi32>], vector<16xf32>,
      %add3A_635 = arith.addf %gather3A_631, %gather3A_633 : vector<16xf32>
      %mul3A_636 = arith.mulf %gather3A_631, %gather3A_633 : vector<16xf32>
      %add3A_637 = arith.addf %add3A_635, %mul3A_636 : vector<16xf32>
      %add3A_638 = arith.addf %gather3A_632, %gather3A_634 : vector<16xf32>
      %mul3A_639 = arith.mulf %gather3A_632, %gather3A_634 : vector<16xf32>
      %add3A_640 = arith.addf %add3A_638, %mul3A_639 : vector<16xf32>
      %add3A_641 = arith.addf %add3A_637, %add3A_640 : vector<16xf32>
      %add3A_642 = arith.constant 3 : i32
      %add3A_643 = arith.addi %mul3A_314, %add3A_642 : i32
      %add3A_644 = arith.constant 0 : i32
      %add3A_645 = arith.addi %add3A_643, %add3A_644 : i32
      %eq3A_646 = vector.broadcast %add3A_645 : i32 to vector<16xi32>
      %eq3A_647 = arith.cmpi eq, %iota3A, %eq3A_646 : vector<16xi32>
      %reduce_sum3A_648 = arith.constant true
      %reduce_sum3A_649 = vector.broadcast %reduce_sum3A_648 : i1 to vector<16xi1>
      %reduce_sum3A_650 = tpu.scan <sum>, %add3A_641 masked %reduce_sum3A_649 : vector<16xf32>, vector<16xi1> -> vector<16xf32>
      %reduce_sum3A_651 = vector.extract %reduce_sum3A_650[15] : f32 from vector<16xf32>
      %broadcast_in_dim3A_652 = vector.broadcast %reduce_sum3A_651 : f32 to vector<16xf32>
      %select_n3A_653 = arith.select %eq3A_647, %broadcast_in_dim3A_652, %select_n3A_567 : vector<16xi1>, vector<16xf32>
      %add3A_654 = arith.constant 4 : i32
      %add3A_655 = arith.addi %mul3A_302, %add3A_654 : i32
      %add3A_656 = arith.constant 7 : i32
      %add3A_657 = arith.addi %add3A_655, %add3A_656 : i32
      %lt3A_658 = arith.constant 512 : i32
      %lt3A_659 = arith.cmpi slt, %add3A_657, %lt3A_658 : i32
      %convert_element_type3A_660 = arith.extui %lt3A_659 : i1 to i32
      %cond3A_661 = arith.constant 0 : i32
      %cond3A_662 = arith.cmpi ne, %convert_element_type3A_660, %cond3A_661 : i32
      scf.if %cond3A_662 {
        %mul3A_1040 = arith.constant 1 : i32
        %mul3A_1041 = arith.muli %add3A_657, %mul3A_1040 : i32
        %get3A_1042 = arith.index_cast %mul3A_1041 : i32 to index
        %get3A_1043 = tpu.vector_load %arg7[%get3A_1042] {strides = array<i32>} : memref<528xi32, #tpu.memory_space<vmem>>, vector<16xi32>,
        %mul3A_1044 = arith.constant 1 : i32
        %mul3A_1045 = arith.muli %add3A_657, %mul3A_1044 : i32
        %get3A_1046 = arith.index_cast %mul3A_1045 : i32 to index
        %get3A_1047 = tpu.vector_load %arg8[%get3A_1046] {strides = array<i32>} : memref<528xi32, #tpu.memory_space<vmem>>, vector<16xi32>,
        %slice3A_1048 = vector.extract_strided_slice %get3A_1043 {offsets = [0], sizes = [1], strides = [1]} : vector<16xi32> to vector<1xi32>
        %squeeze3A_1049 = vector.extract %slice3A_1048[0] : i32 from vector<1xi32>
        %and3A_1050 = arith.constant 127 : i32
        %and3A_1051 = arith.andi %squeeze3A_1049, %and3A_1050 : i32
        %sub3A_1052 = arith.subi %squeeze3A_1049, %and3A_1051 : i32
        %multiple_of3A_1053 = tpu.assume_multiple %sub3A_1052, 128 : i32
        %dma_start3A_1054 = arith.constant 6 : i32
        %dma_start3A_1055 = arith.constant 0 : i32
        %dma_start3A_1056 = arith.constant 0 : i32
        %dma_start3A_1057 = tpu.memref_slice %arg9[%dma_start3A_1054, %dma_start3A_1055, %dma_start3A_1056] : memref<16x32x128xf32, #tpu.memory_space<vmem>> -> memref<1x32x128xf32, #tpu.memory_space<vmem>>
        %dma_start3A_1058 = tpu.memref_squeeze %dma_start3A_1057 : memref<1x32x128xf32, #tpu.memory_space<vmem>> -> memref<32x128xf32, #tpu.memory_space<vmem>>
        %dma_start3A_1059 = arith.constant 0 : i32
        %dma_start3A_1060 = tpu.memref_slice %arg4[%dma_start3A_1059, %multiple_of3A_1053] : memref<32x1000000xf32, #tpu.memory_space<hbm>> -> memref<32x128xf32, #tpu.memory_space<hbm>>
        %dma_start3A_1061 = arith.constant 0 : i32
        %dma_start3A_1062 = arith.constant 0 : i32
        %dma_start3A_1063 = tpu.memref_slice %arg9[%dma_start3A_1054, %dma_start3A_1061, %dma_start3A_1062] : memref<16x32x128xf32, #tpu.memory_space<vmem>> -> memref<1x32x128xf32, #tpu.memory_space<vmem>>
        %dma_start3A_1064 = tpu.memref_squeeze %dma_start3A_1063 : memref<1x32x128xf32, #tpu.memory_space<vmem>> -> memref<32x128xf32, #tpu.memory_space<vmem>>
        %dma_start3A_1065 = arith.constant 0 : i32
        %dma_start3A_1066 = tpu.memref_slice %arg4[%dma_start3A_1065, %multiple_of3A_1053] : memref<32x1000000xf32, #tpu.memory_space<hbm>> -> memref<32x128xf32, #tpu.memory_space<hbm>>
        tpu.enqueue_dma source(%dma_start3A_1066 : memref<32x128xf32, #tpu.memory_space<hbm>>) target(%dma_start3A_1064 : memref<32x128xf32, #tpu.memory_space<vmem>>) target_semaphore(%arg14 : memref<!tpu.dma_semaphore, #tpu.memory_space<semaphore_mem>>)
        %slice3A_1067 = vector.extract_strided_slice %get3A_1047 {offsets = [0], sizes = [1], strides = [1]} : vector<16xi32> to vector<1xi32>
        %squeeze3A_1068 = vector.extract %slice3A_1067[0] : i32 from vector<1xi32>
        %and3A_1069 = arith.constant 127 : i32
        %and3A_1070 = arith.andi %squeeze3A_1068, %and3A_1069 : i32
        %sub3A_1071 = arith.subi %squeeze3A_1068, %and3A_1070 : i32
        %multiple_of3A_1072 = tpu.assume_multiple %sub3A_1071, 128 : i32
        %dma_start3A_1073 = arith.constant 7 : i32
        %dma_start3A_1074 = arith.constant 0 : i32
        %dma_start3A_1075 = arith.constant 0 : i32
        %dma_start3A_1076 = tpu.memref_slice %arg9[%dma_start3A_1073, %dma_start3A_1074, %dma_start3A_1075] : memref<16x32x128xf32, #tpu.memory_space<vmem>> -> memref<1x32x128xf32, #tpu.memory_space<vmem>>
        %dma_start3A_1077 = tpu.memref_squeeze %dma_start3A_1076 : memref<1x32x128xf32, #tpu.memory_space<vmem>> -> memref<32x128xf32, #tpu.memory_space<vmem>>
        %dma_start3A_1078 = arith.constant 0 : i32
        %dma_start3A_1079 = tpu.memref_slice %arg5[%dma_start3A_1078, %multiple_of3A_1072] : memref<32x1000000xf32, #tpu.memory_space<hbm>> -> memref<32x128xf32, #tpu.memory_space<hbm>>
        %dma_start3A_1080 = arith.constant 0 : i32
        %dma_start3A_1081 = arith.constant 0 : i32
        %dma_start3A_1082 = tpu.memref_slice %arg9[%dma_start3A_1073, %dma_start3A_1080, %dma_start3A_1081] : memref<16x32x128xf32, #tpu.memory_space<vmem>> -> memref<1x32x128xf32, #tpu.memory_space<vmem>>
        %dma_start3A_1083 = tpu.memref_squeeze %dma_start3A_1082 : memref<1x32x128xf32, #tpu.memory_space<vmem>> -> memref<32x128xf32, #tpu.memory_space<vmem>>
        %dma_start3A_1084 = arith.constant 0 : i32
        %dma_start3A_1085 = tpu.memref_slice %arg5[%dma_start3A_1084, %multiple_of3A_1072] : memref<32x1000000xf32, #tpu.memory_space<hbm>> -> memref<32x128xf32, #tpu.memory_space<hbm>>
        tpu.enqueue_dma source(%dma_start3A_1085 : memref<32x128xf32, #tpu.memory_space<hbm>>) target(%dma_start3A_1083 : memref<32x128xf32, #tpu.memory_space<vmem>>) target_semaphore(%arg14 : memref<!tpu.dma_semaphore, #tpu.memory_space<semaphore_mem>>)
      } else {
      }
      %dma_wait3A_663 = arith.constant 8 : i32
      %dma_wait3A_664 = arith.constant 0 : i32
      %dma_wait3A_665 = arith.constant 0 : i32
      %dma_wait3A_666 = tpu.memref_slice %arg9[%dma_wait3A_663, %dma_wait3A_664, %dma_wait3A_665] : memref<16x32x128xf32, #tpu.memory_space<vmem>> -> memref<1x32x128xf32, #tpu.memory_space<vmem>>
      %dma_wait3A_667 = tpu.memref_squeeze %dma_wait3A_666 : memref<1x32x128xf32, #tpu.memory_space<vmem>> -> memref<32x128xf32, #tpu.memory_space<vmem>>
      %dma_wait3A_668 = arith.constant 0 : i32
      %dma_wait3A_669 = arith.constant 0 : i32
      %dma_wait3A_670 = tpu.memref_slice %arg4[%dma_wait3A_668, %dma_wait3A_669] : memref<32x1000000xf32, #tpu.memory_space<hbm>> -> memref<32x128xf32, #tpu.memory_space<hbm>>
      %dma_wait3A_671 = arith.constant 0 : i32
      %dma_wait3A_672 = arith.constant 0 : i32
      %dma_wait3A_673 = tpu.memref_slice %arg9[%dma_wait3A_663, %dma_wait3A_671, %dma_wait3A_672] : memref<16x32x128xf32, #tpu.memory_space<vmem>> -> memref<1x32x128xf32, #tpu.memory_space<vmem>>
      %dma_wait3A_674 = tpu.memref_squeeze %dma_wait3A_673 : memref<1x32x128xf32, #tpu.memory_space<vmem>> -> memref<32x128xf32, #tpu.memory_space<vmem>>
      %dma_wait3A_675 = arith.constant 0 : i32
      %dma_wait3A_676 = arith.constant 0 : i32
      %dma_wait3A_677 = tpu.memref_slice %arg4[%dma_wait3A_675, %dma_wait3A_676] : memref<32x1000000xf32, #tpu.memory_space<hbm>> -> memref<32x128xf32, #tpu.memory_space<hbm>>
      tpu.wait_dma2 semaphore(%arg15 : memref<!tpu.dma_semaphore, #tpu.memory_space<semaphore_mem>>) src(%dma_wait3A_677 : memref<32x128xf32, #tpu.memory_space<hbm>>) dst(%dma_wait3A_674 : memref<32x128xf32, #tpu.memory_space<vmem>>)
      %dma_wait3A_678 = arith.constant 9 : i32
      %dma_wait3A_679 = arith.constant 0 : i32
      %dma_wait3A_680 = arith.constant 0 : i32
      %dma_wait3A_681 = tpu.memref_slice %arg9[%dma_wait3A_678, %dma_wait3A_679, %dma_wait3A_680] : memref<16x32x128xf32, #tpu.memory_space<vmem>> -> memref<1x32x128xf32, #tpu.memory_space<vmem>>
      %dma_wait3A_682 = tpu.memref_squeeze %dma_wait3A_681 : memref<1x32x128xf32, #tpu.memory_space<vmem>> -> memref<32x128xf32, #tpu.memory_space<vmem>>
      %dma_wait3A_683 = arith.constant 0 : i32
      %dma_wait3A_684 = arith.constant 0 : i32
      %dma_wait3A_685 = tpu.memref_slice %arg4[%dma_wait3A_683, %dma_wait3A_684] : memref<32x1000000xf32, #tpu.memory_space<hbm>> -> memref<32x128xf32, #tpu.memory_space<hbm>>
      %dma_wait3A_686 = arith.constant 0 : i32
      %dma_wait3A_687 = arith.constant 0 : i32
      %dma_wait3A_688 = tpu.memref_slice %arg9[%dma_wait3A_678, %dma_wait3A_686, %dma_wait3A_687] : memref<16x32x128xf32, #tpu.memory_space<vmem>> -> memref<1x32x128xf32, #tpu.memory_space<vmem>>
      %dma_wait3A_689 = tpu.memref_squeeze %dma_wait3A_688 : memref<1x32x128xf32, #tpu.memory_space<vmem>> -> memref<32x128xf32, #tpu.memory_space<vmem>>
      %dma_wait3A_690 = arith.constant 0 : i32
      %dma_wait3A_691 = arith.constant 0 : i32
      %dma_wait3A_692 = tpu.memref_slice %arg4[%dma_wait3A_690, %dma_wait3A_691] : memref<32x1000000xf32, #tpu.memory_space<hbm>> -> memref<32x128xf32, #tpu.memory_space<hbm>>
      tpu.wait_dma2 semaphore(%arg15 : memref<!tpu.dma_semaphore, #tpu.memory_space<semaphore_mem>>) src(%dma_wait3A_692 : memref<32x128xf32, #tpu.memory_space<hbm>>) dst(%dma_wait3A_689 : memref<32x128xf32, #tpu.memory_space<vmem>>)
      %add3A_693 = arith.constant 4 : i32
      %add3A_694 = arith.addi %mul3A_302, %add3A_693 : i32
      %mul3A_695 = arith.constant 1 : i32
      %mul3A_696 = arith.muli %add3A_694, %mul3A_695 : i32
      %get3A_697 = arith.index_cast %mul3A_696 : i32 to index
      %get3A_698 = tpu.vector_load %arg7[%get3A_697] {strides = array<i32>} : memref<528xi32, #tpu.memory_space<vmem>>, vector<16xi32>,
      %mul3A_699 = arith.constant 1 : i32
      %mul3A_700 = arith.muli %add3A_694, %mul3A_699 : i32
      %get3A_701 = arith.index_cast %mul3A_700 : i32 to index
      %get3A_702 = tpu.vector_load %arg8[%get3A_701] {strides = array<i32>} : memref<528xi32, #tpu.memory_space<vmem>>, vector<16xi32>,
      %slice3A_703 = vector.extract_strided_slice %get3A_698 {offsets = [0], sizes = [1], strides = [1]} : vector<16xi32> to vector<1xi32>
      %squeeze3A_704 = vector.extract %slice3A_703[0] : i32 from vector<1xi32>
      %and3A_705 = arith.constant 127 : i32
      %and3A_706 = arith.andi %squeeze3A_704, %and3A_705 : i32
      %broadcast_in_dim3A_707 = vector.broadcast %and3A_706 : i32 to vector<16xi32>
      %slice3A_708 = vector.extract_strided_slice %get3A_702 {offsets = [0], sizes = [1], strides = [1]} : vector<16xi32> to vector<1xi32>
      %squeeze3A_709 = vector.extract %slice3A_708[0] : i32 from vector<1xi32>
      %and3A_710 = arith.constant 127 : i32
      %and3A_711 = arith.andi %squeeze3A_709, %and3A_710 : i32
      %broadcast_in_dim3A_712 = vector.broadcast %and3A_711 : i32 to vector<16xi32>
      %broadcast_in_dim3A_713 = arith.constant 8 : i32
      %broadcast_in_dim3A_714 = vector.broadcast %broadcast_in_dim3A_713 : i32 to vector<16xi32>
      %broadcast_in_dim3A_715 = arith.constant 9 : i32
      %broadcast_in_dim3A_716 = vector.broadcast %broadcast_in_dim3A_715 : i32 to vector<16xi32>
      %gather3A_717 = tpu.vector_load_idx %arg9[%broadcast_in_dim3A_714, %iota3A, %broadcast_in_dim3A_707] : memref<16x32x128xf32, #tpu.memory_space<vmem>>[vector<16xi32>, vector<16xi32>, vector<16xi32>], vector<16xf32>,
      %gather3A_718 = tpu.vector_load_idx %arg9[%broadcast_in_dim3A_714, %add3A_5, %broadcast_in_dim3A_707] : memref<16x32x128xf32, #tpu.memory_space<vmem>>[vector<16xi32>, vector<16xi32>, vector<16xi32>], vector<16xf32>,
      %gather3A_719 = tpu.vector_load_idx %arg9[%broadcast_in_dim3A_716, %iota3A, %broadcast_in_dim3A_712] : memref<16x32x128xf32, #tpu.memory_space<vmem>>[vector<16xi32>, vector<16xi32>, vector<16xi32>], vector<16xf32>,
      %gather3A_720 = tpu.vector_load_idx %arg9[%broadcast_in_dim3A_716, %add3A_5, %broadcast_in_dim3A_712] : memref<16x32x128xf32, #tpu.memory_space<vmem>>[vector<16xi32>, vector<16xi32>, vector<16xi32>], vector<16xf32>,
      %add3A_721 = arith.addf %gather3A_717, %gather3A_719 : vector<16xf32>
      %mul3A_722 = arith.mulf %gather3A_717, %gather3A_719 : vector<16xf32>
      %add3A_723 = arith.addf %add3A_721, %mul3A_722 : vector<16xf32>
      %add3A_724 = arith.addf %gather3A_718, %gather3A_720 : vector<16xf32>
      %mul3A_725 = arith.mulf %gather3A_718, %gather3A_720 : vector<16xf32>
      %add3A_726 = arith.addf %add3A_724, %mul3A_725 : vector<16xf32>
      %add3A_727 = arith.addf %add3A_723, %add3A_726 : vector<16xf32>
      %add3A_728 = arith.constant 4 : i32
      %add3A_729 = arith.addi %mul3A_314, %add3A_728 : i32
      %add3A_730 = arith.constant 0 : i32
      %add3A_731 = arith.addi %add3A_729, %add3A_730 : i32
      %eq3A_732 = vector.broadcast %add3A_731 : i32 to vector<16xi32>
      %eq3A_733 = arith.cmpi eq, %iota3A, %eq3A_732 : vector<16xi32>
      %reduce_sum3A_734 = arith.constant true
      %reduce_sum3A_735 = vector.broadcast %reduce_sum3A_734 : i1 to vector<16xi1>
      %reduce_sum3A_736 = tpu.scan <sum>, %add3A_727 masked %reduce_sum3A_735 : vector<16xf32>, vector<16xi1> -> vector<16xf32>
      %reduce_sum3A_737 = vector.extract %reduce_sum3A_736[15] : f32 from vector<16xf32>
      %broadcast_in_dim3A_738 = vector.broadcast %reduce_sum3A_737 : f32 to vector<16xf32>
      %select_n3A_739 = arith.select %eq3A_733, %broadcast_in_dim3A_738, %select_n3A_653 : vector<16xi1>, vector<16xf32>
      %add3A_740 = arith.constant 5 : i32
      %add3A_741 = arith.addi %mul3A_302, %add3A_740 : i32
      %add3A_742 = arith.constant 7 : i32
      %add3A_743 = arith.addi %add3A_741, %add3A_742 : i32
      %lt3A_744 = arith.constant 512 : i32
      %lt3A_745 = arith.cmpi slt, %add3A_743, %lt3A_744 : i32
      %convert_element_type3A_746 = arith.extui %lt3A_745 : i1 to i32
      %cond3A_747 = arith.constant 0 : i32
      %cond3A_748 = arith.cmpi ne, %convert_element_type3A_746, %cond3A_747 : i32
      scf.if %cond3A_748 {
        %mul3A_1040 = arith.constant 1 : i32
        %mul3A_1041 = arith.muli %add3A_743, %mul3A_1040 : i32
        %get3A_1042 = arith.index_cast %mul3A_1041 : i32 to index
        %get3A_1043 = tpu.vector_load %arg7[%get3A_1042] {strides = array<i32>} : memref<528xi32, #tpu.memory_space<vmem>>, vector<16xi32>,
        %mul3A_1044 = arith.constant 1 : i32
        %mul3A_1045 = arith.muli %add3A_743, %mul3A_1044 : i32
        %get3A_1046 = arith.index_cast %mul3A_1045 : i32 to index
        %get3A_1047 = tpu.vector_load %arg8[%get3A_1046] {strides = array<i32>} : memref<528xi32, #tpu.memory_space<vmem>>, vector<16xi32>,
        %slice3A_1048 = vector.extract_strided_slice %get3A_1043 {offsets = [0], sizes = [1], strides = [1]} : vector<16xi32> to vector<1xi32>
        %squeeze3A_1049 = vector.extract %slice3A_1048[0] : i32 from vector<1xi32>
        %and3A_1050 = arith.constant 127 : i32
        %and3A_1051 = arith.andi %squeeze3A_1049, %and3A_1050 : i32
        %sub3A_1052 = arith.subi %squeeze3A_1049, %and3A_1051 : i32
        %multiple_of3A_1053 = tpu.assume_multiple %sub3A_1052, 128 : i32
        %dma_start3A_1054 = arith.constant 8 : i32
        %dma_start3A_1055 = arith.constant 0 : i32
        %dma_start3A_1056 = arith.constant 0 : i32
        %dma_start3A_1057 = tpu.memref_slice %arg9[%dma_start3A_1054, %dma_start3A_1055, %dma_start3A_1056] : memref<16x32x128xf32, #tpu.memory_space<vmem>> -> memref<1x32x128xf32, #tpu.memory_space<vmem>>
        %dma_start3A_1058 = tpu.memref_squeeze %dma_start3A_1057 : memref<1x32x128xf32, #tpu.memory_space<vmem>> -> memref<32x128xf32, #tpu.memory_space<vmem>>
        %dma_start3A_1059 = arith.constant 0 : i32
        %dma_start3A_1060 = tpu.memref_slice %arg4[%dma_start3A_1059, %multiple_of3A_1053] : memref<32x1000000xf32, #tpu.memory_space<hbm>> -> memref<32x128xf32, #tpu.memory_space<hbm>>
        %dma_start3A_1061 = arith.constant 0 : i32
        %dma_start3A_1062 = arith.constant 0 : i32
        %dma_start3A_1063 = tpu.memref_slice %arg9[%dma_start3A_1054, %dma_start3A_1061, %dma_start3A_1062] : memref<16x32x128xf32, #tpu.memory_space<vmem>> -> memref<1x32x128xf32, #tpu.memory_space<vmem>>
        %dma_start3A_1064 = tpu.memref_squeeze %dma_start3A_1063 : memref<1x32x128xf32, #tpu.memory_space<vmem>> -> memref<32x128xf32, #tpu.memory_space<vmem>>
        %dma_start3A_1065 = arith.constant 0 : i32
        %dma_start3A_1066 = tpu.memref_slice %arg4[%dma_start3A_1065, %multiple_of3A_1053] : memref<32x1000000xf32, #tpu.memory_space<hbm>> -> memref<32x128xf32, #tpu.memory_space<hbm>>
        tpu.enqueue_dma source(%dma_start3A_1066 : memref<32x128xf32, #tpu.memory_space<hbm>>) target(%dma_start3A_1064 : memref<32x128xf32, #tpu.memory_space<vmem>>) target_semaphore(%arg15 : memref<!tpu.dma_semaphore, #tpu.memory_space<semaphore_mem>>)
        %slice3A_1067 = vector.extract_strided_slice %get3A_1047 {offsets = [0], sizes = [1], strides = [1]} : vector<16xi32> to vector<1xi32>
        %squeeze3A_1068 = vector.extract %slice3A_1067[0] : i32 from vector<1xi32>
        %and3A_1069 = arith.constant 127 : i32
        %and3A_1070 = arith.andi %squeeze3A_1068, %and3A_1069 : i32
        %sub3A_1071 = arith.subi %squeeze3A_1068, %and3A_1070 : i32
        %multiple_of3A_1072 = tpu.assume_multiple %sub3A_1071, 128 : i32
        %dma_start3A_1073 = arith.constant 9 : i32
        %dma_start3A_1074 = arith.constant 0 : i32
        %dma_start3A_1075 = arith.constant 0 : i32
        %dma_start3A_1076 = tpu.memref_slice %arg9[%dma_start3A_1073, %dma_start3A_1074, %dma_start3A_1075] : memref<16x32x128xf32, #tpu.memory_space<vmem>> -> memref<1x32x128xf32, #tpu.memory_space<vmem>>
        %dma_start3A_1077 = tpu.memref_squeeze %dma_start3A_1076 : memref<1x32x128xf32, #tpu.memory_space<vmem>> -> memref<32x128xf32, #tpu.memory_space<vmem>>
        %dma_start3A_1078 = arith.constant 0 : i32
        %dma_start3A_1079 = tpu.memref_slice %arg5[%dma_start3A_1078, %multiple_of3A_1072] : memref<32x1000000xf32, #tpu.memory_space<hbm>> -> memref<32x128xf32, #tpu.memory_space<hbm>>
        %dma_start3A_1080 = arith.constant 0 : i32
        %dma_start3A_1081 = arith.constant 0 : i32
        %dma_start3A_1082 = tpu.memref_slice %arg9[%dma_start3A_1073, %dma_start3A_1080, %dma_start3A_1081] : memref<16x32x128xf32, #tpu.memory_space<vmem>> -> memref<1x32x128xf32, #tpu.memory_space<vmem>>
        %dma_start3A_1083 = tpu.memref_squeeze %dma_start3A_1082 : memref<1x32x128xf32, #tpu.memory_space<vmem>> -> memref<32x128xf32, #tpu.memory_space<vmem>>
        %dma_start3A_1084 = arith.constant 0 : i32
        %dma_start3A_1085 = tpu.memref_slice %arg5[%dma_start3A_1084, %multiple_of3A_1072] : memref<32x1000000xf32, #tpu.memory_space<hbm>> -> memref<32x128xf32, #tpu.memory_space<hbm>>
        tpu.enqueue_dma source(%dma_start3A_1085 : memref<32x128xf32, #tpu.memory_space<hbm>>) target(%dma_start3A_1083 : memref<32x128xf32, #tpu.memory_space<vmem>>) target_semaphore(%arg15 : memref<!tpu.dma_semaphore, #tpu.memory_space<semaphore_mem>>)
      } else {
      }
      %dma_wait3A_749 = arith.constant 10 : i32
      %dma_wait3A_750 = arith.constant 0 : i32
      %dma_wait3A_751 = arith.constant 0 : i32
      %dma_wait3A_752 = tpu.memref_slice %arg9[%dma_wait3A_749, %dma_wait3A_750, %dma_wait3A_751] : memref<16x32x128xf32, #tpu.memory_space<vmem>> -> memref<1x32x128xf32, #tpu.memory_space<vmem>>
      %dma_wait3A_753 = tpu.memref_squeeze %dma_wait3A_752 : memref<1x32x128xf32, #tpu.memory_space<vmem>> -> memref<32x128xf32, #tpu.memory_space<vmem>>
      %dma_wait3A_754 = arith.constant 0 : i32
      %dma_wait3A_755 = arith.constant 0 : i32
      %dma_wait3A_756 = tpu.memref_slice %arg4[%dma_wait3A_754, %dma_wait3A_755] : memref<32x1000000xf32, #tpu.memory_space<hbm>> -> memref<32x128xf32, #tpu.memory_space<hbm>>
      %dma_wait3A_757 = arith.constant 0 : i32
      %dma_wait3A_758 = arith.constant 0 : i32
      %dma_wait3A_759 = tpu.memref_slice %arg9[%dma_wait3A_749, %dma_wait3A_757, %dma_wait3A_758] : memref<16x32x128xf32, #tpu.memory_space<vmem>> -> memref<1x32x128xf32, #tpu.memory_space<vmem>>
      %dma_wait3A_760 = tpu.memref_squeeze %dma_wait3A_759 : memref<1x32x128xf32, #tpu.memory_space<vmem>> -> memref<32x128xf32, #tpu.memory_space<vmem>>
      %dma_wait3A_761 = arith.constant 0 : i32
      %dma_wait3A_762 = arith.constant 0 : i32
      %dma_wait3A_763 = tpu.memref_slice %arg4[%dma_wait3A_761, %dma_wait3A_762] : memref<32x1000000xf32, #tpu.memory_space<hbm>> -> memref<32x128xf32, #tpu.memory_space<hbm>>
      tpu.wait_dma2 semaphore(%arg16 : memref<!tpu.dma_semaphore, #tpu.memory_space<semaphore_mem>>) src(%dma_wait3A_763 : memref<32x128xf32, #tpu.memory_space<hbm>>) dst(%dma_wait3A_760 : memref<32x128xf32, #tpu.memory_space<vmem>>)
      %dma_wait3A_764 = arith.constant 11 : i32
      %dma_wait3A_765 = arith.constant 0 : i32
      %dma_wait3A_766 = arith.constant 0 : i32
      %dma_wait3A_767 = tpu.memref_slice %arg9[%dma_wait3A_764, %dma_wait3A_765, %dma_wait3A_766] : memref<16x32x128xf32, #tpu.memory_space<vmem>> -> memref<1x32x128xf32, #tpu.memory_space<vmem>>
      %dma_wait3A_768 = tpu.memref_squeeze %dma_wait3A_767 : memref<1x32x128xf32, #tpu.memory_space<vmem>> -> memref<32x128xf32, #tpu.memory_space<vmem>>
      %dma_wait3A_769 = arith.constant 0 : i32
      %dma_wait3A_770 = arith.constant 0 : i32
      %dma_wait3A_771 = tpu.memref_slice %arg4[%dma_wait3A_769, %dma_wait3A_770] : memref<32x1000000xf32, #tpu.memory_space<hbm>> -> memref<32x128xf32, #tpu.memory_space<hbm>>
      %dma_wait3A_772 = arith.constant 0 : i32
      %dma_wait3A_773 = arith.constant 0 : i32
      %dma_wait3A_774 = tpu.memref_slice %arg9[%dma_wait3A_764, %dma_wait3A_772, %dma_wait3A_773] : memref<16x32x128xf32, #tpu.memory_space<vmem>> -> memref<1x32x128xf32, #tpu.memory_space<vmem>>
      %dma_wait3A_775 = tpu.memref_squeeze %dma_wait3A_774 : memref<1x32x128xf32, #tpu.memory_space<vmem>> -> memref<32x128xf32, #tpu.memory_space<vmem>>
      %dma_wait3A_776 = arith.constant 0 : i32
      %dma_wait3A_777 = arith.constant 0 : i32
      %dma_wait3A_778 = tpu.memref_slice %arg4[%dma_wait3A_776, %dma_wait3A_777] : memref<32x1000000xf32, #tpu.memory_space<hbm>> -> memref<32x128xf32, #tpu.memory_space<hbm>>
      tpu.wait_dma2 semaphore(%arg16 : memref<!tpu.dma_semaphore, #tpu.memory_space<semaphore_mem>>) src(%dma_wait3A_778 : memref<32x128xf32, #tpu.memory_space<hbm>>) dst(%dma_wait3A_775 : memref<32x128xf32, #tpu.memory_space<vmem>>)
      %add3A_779 = arith.constant 5 : i32
      %add3A_780 = arith.addi %mul3A_302, %add3A_779 : i32
      %mul3A_781 = arith.constant 1 : i32
      %mul3A_782 = arith.muli %add3A_780, %mul3A_781 : i32
      %get3A_783 = arith.index_cast %mul3A_782 : i32 to index
      %get3A_784 = tpu.vector_load %arg7[%get3A_783] {strides = array<i32>} : memref<528xi32, #tpu.memory_space<vmem>>, vector<16xi32>,
      %mul3A_785 = arith.constant 1 : i32
      %mul3A_786 = arith.muli %add3A_780, %mul3A_785 : i32
      %get3A_787 = arith.index_cast %mul3A_786 : i32 to index
      %get3A_788 = tpu.vector_load %arg8[%get3A_787] {strides = array<i32>} : memref<528xi32, #tpu.memory_space<vmem>>, vector<16xi32>,
      %slice3A_789 = vector.extract_strided_slice %get3A_784 {offsets = [0], sizes = [1], strides = [1]} : vector<16xi32> to vector<1xi32>
      %squeeze3A_790 = vector.extract %slice3A_789[0] : i32 from vector<1xi32>
      %and3A_791 = arith.constant 127 : i32
      %and3A_792 = arith.andi %squeeze3A_790, %and3A_791 : i32
      %broadcast_in_dim3A_793 = vector.broadcast %and3A_792 : i32 to vector<16xi32>
      %slice3A_794 = vector.extract_strided_slice %get3A_788 {offsets = [0], sizes = [1], strides = [1]} : vector<16xi32> to vector<1xi32>
      %squeeze3A_795 = vector.extract %slice3A_794[0] : i32 from vector<1xi32>
      %and3A_796 = arith.constant 127 : i32
      %and3A_797 = arith.andi %squeeze3A_795, %and3A_796 : i32
      %broadcast_in_dim3A_798 = vector.broadcast %and3A_797 : i32 to vector<16xi32>
      %broadcast_in_dim3A_799 = arith.constant 10 : i32
      %broadcast_in_dim3A_800 = vector.broadcast %broadcast_in_dim3A_799 : i32 to vector<16xi32>
      %broadcast_in_dim3A_801 = arith.constant 11 : i32
      %broadcast_in_dim3A_802 = vector.broadcast %broadcast_in_dim3A_801 : i32 to vector<16xi32>
      %gather3A_803 = tpu.vector_load_idx %arg9[%broadcast_in_dim3A_800, %iota3A, %broadcast_in_dim3A_793] : memref<16x32x128xf32, #tpu.memory_space<vmem>>[vector<16xi32>, vector<16xi32>, vector<16xi32>], vector<16xf32>,
      %gather3A_804 = tpu.vector_load_idx %arg9[%broadcast_in_dim3A_800, %add3A_5, %broadcast_in_dim3A_793] : memref<16x32x128xf32, #tpu.memory_space<vmem>>[vector<16xi32>, vector<16xi32>, vector<16xi32>], vector<16xf32>,
      %gather3A_805 = tpu.vector_load_idx %arg9[%broadcast_in_dim3A_802, %iota3A, %broadcast_in_dim3A_798] : memref<16x32x128xf32, #tpu.memory_space<vmem>>[vector<16xi32>, vector<16xi32>, vector<16xi32>], vector<16xf32>,
      %gather3A_806 = tpu.vector_load_idx %arg9[%broadcast_in_dim3A_802, %add3A_5, %broadcast_in_dim3A_798] : memref<16x32x128xf32, #tpu.memory_space<vmem>>[vector<16xi32>, vector<16xi32>, vector<16xi32>], vector<16xf32>,
      %add3A_807 = arith.addf %gather3A_803, %gather3A_805 : vector<16xf32>
      %mul3A_808 = arith.mulf %gather3A_803, %gather3A_805 : vector<16xf32>
      %add3A_809 = arith.addf %add3A_807, %mul3A_808 : vector<16xf32>
      %add3A_810 = arith.addf %gather3A_804, %gather3A_806 : vector<16xf32>
      %mul3A_811 = arith.mulf %gather3A_804, %gather3A_806 : vector<16xf32>
      %add3A_812 = arith.addf %add3A_810, %mul3A_811 : vector<16xf32>
      %add3A_813 = arith.addf %add3A_809, %add3A_812 : vector<16xf32>
      %add3A_814 = arith.constant 5 : i32
      %add3A_815 = arith.addi %mul3A_314, %add3A_814 : i32
      %add3A_816 = arith.constant 0 : i32
      %add3A_817 = arith.addi %add3A_815, %add3A_816 : i32
      %eq3A_818 = vector.broadcast %add3A_817 : i32 to vector<16xi32>
      %eq3A_819 = arith.cmpi eq, %iota3A, %eq3A_818 : vector<16xi32>
      %reduce_sum3A_820 = arith.constant true
      %reduce_sum3A_821 = vector.broadcast %reduce_sum3A_820 : i1 to vector<16xi1>
      %reduce_sum3A_822 = tpu.scan <sum>, %add3A_813 masked %reduce_sum3A_821 : vector<16xf32>, vector<16xi1> -> vector<16xf32>
      %reduce_sum3A_823 = vector.extract %reduce_sum3A_822[15] : f32 from vector<16xf32>
      %broadcast_in_dim3A_824 = vector.broadcast %reduce_sum3A_823 : f32 to vector<16xf32>
      %select_n3A_825 = arith.select %eq3A_819, %broadcast_in_dim3A_824, %select_n3A_739 : vector<16xi1>, vector<16xf32>
      %add3A_826 = arith.constant 6 : i32
      %add3A_827 = arith.addi %mul3A_302, %add3A_826 : i32
      %add3A_828 = arith.constant 7 : i32
      %add3A_829 = arith.addi %add3A_827, %add3A_828 : i32
      %lt3A_830 = arith.constant 512 : i32
      %lt3A_831 = arith.cmpi slt, %add3A_829, %lt3A_830 : i32
      %convert_element_type3A_832 = arith.extui %lt3A_831 : i1 to i32
      %cond3A_833 = arith.constant 0 : i32
      %cond3A_834 = arith.cmpi ne, %convert_element_type3A_832, %cond3A_833 : i32
      scf.if %cond3A_834 {
        %mul3A_1040 = arith.constant 1 : i32
        %mul3A_1041 = arith.muli %add3A_829, %mul3A_1040 : i32
        %get3A_1042 = arith.index_cast %mul3A_1041 : i32 to index
        %get3A_1043 = tpu.vector_load %arg7[%get3A_1042] {strides = array<i32>} : memref<528xi32, #tpu.memory_space<vmem>>, vector<16xi32>,
        %mul3A_1044 = arith.constant 1 : i32
        %mul3A_1045 = arith.muli %add3A_829, %mul3A_1044 : i32
        %get3A_1046 = arith.index_cast %mul3A_1045 : i32 to index
        %get3A_1047 = tpu.vector_load %arg8[%get3A_1046] {strides = array<i32>} : memref<528xi32, #tpu.memory_space<vmem>>, vector<16xi32>,
        %slice3A_1048 = vector.extract_strided_slice %get3A_1043 {offsets = [0], sizes = [1], strides = [1]} : vector<16xi32> to vector<1xi32>
        %squeeze3A_1049 = vector.extract %slice3A_1048[0] : i32 from vector<1xi32>
        %and3A_1050 = arith.constant 127 : i32
        %and3A_1051 = arith.andi %squeeze3A_1049, %and3A_1050 : i32
        %sub3A_1052 = arith.subi %squeeze3A_1049, %and3A_1051 : i32
        %multiple_of3A_1053 = tpu.assume_multiple %sub3A_1052, 128 : i32
        %dma_start3A_1054 = arith.constant 10 : i32
        %dma_start3A_1055 = arith.constant 0 : i32
        %dma_start3A_1056 = arith.constant 0 : i32
        %dma_start3A_1057 = tpu.memref_slice %arg9[%dma_start3A_1054, %dma_start3A_1055, %dma_start3A_1056] : memref<16x32x128xf32, #tpu.memory_space<vmem>> -> memref<1x32x128xf32, #tpu.memory_space<vmem>>
        %dma_start3A_1058 = tpu.memref_squeeze %dma_start3A_1057 : memref<1x32x128xf32, #tpu.memory_space<vmem>> -> memref<32x128xf32, #tpu.memory_space<vmem>>
        %dma_start3A_1059 = arith.constant 0 : i32
        %dma_start3A_1060 = tpu.memref_slice %arg4[%dma_start3A_1059, %multiple_of3A_1053] : memref<32x1000000xf32, #tpu.memory_space<hbm>> -> memref<32x128xf32, #tpu.memory_space<hbm>>
        %dma_start3A_1061 = arith.constant 0 : i32
        %dma_start3A_1062 = arith.constant 0 : i32
        %dma_start3A_1063 = tpu.memref_slice %arg9[%dma_start3A_1054, %dma_start3A_1061, %dma_start3A_1062] : memref<16x32x128xf32, #tpu.memory_space<vmem>> -> memref<1x32x128xf32, #tpu.memory_space<vmem>>
        %dma_start3A_1064 = tpu.memref_squeeze %dma_start3A_1063 : memref<1x32x128xf32, #tpu.memory_space<vmem>> -> memref<32x128xf32, #tpu.memory_space<vmem>>
        %dma_start3A_1065 = arith.constant 0 : i32
        %dma_start3A_1066 = tpu.memref_slice %arg4[%dma_start3A_1065, %multiple_of3A_1053] : memref<32x1000000xf32, #tpu.memory_space<hbm>> -> memref<32x128xf32, #tpu.memory_space<hbm>>
        tpu.enqueue_dma source(%dma_start3A_1066 : memref<32x128xf32, #tpu.memory_space<hbm>>) target(%dma_start3A_1064 : memref<32x128xf32, #tpu.memory_space<vmem>>) target_semaphore(%arg16 : memref<!tpu.dma_semaphore, #tpu.memory_space<semaphore_mem>>)
        %slice3A_1067 = vector.extract_strided_slice %get3A_1047 {offsets = [0], sizes = [1], strides = [1]} : vector<16xi32> to vector<1xi32>
        %squeeze3A_1068 = vector.extract %slice3A_1067[0] : i32 from vector<1xi32>
        %and3A_1069 = arith.constant 127 : i32
        %and3A_1070 = arith.andi %squeeze3A_1068, %and3A_1069 : i32
        %sub3A_1071 = arith.subi %squeeze3A_1068, %and3A_1070 : i32
        %multiple_of3A_1072 = tpu.assume_multiple %sub3A_1071, 128 : i32
        %dma_start3A_1073 = arith.constant 11 : i32
        %dma_start3A_1074 = arith.constant 0 : i32
        %dma_start3A_1075 = arith.constant 0 : i32
        %dma_start3A_1076 = tpu.memref_slice %arg9[%dma_start3A_1073, %dma_start3A_1074, %dma_start3A_1075] : memref<16x32x128xf32, #tpu.memory_space<vmem>> -> memref<1x32x128xf32, #tpu.memory_space<vmem>>
        %dma_start3A_1077 = tpu.memref_squeeze %dma_start3A_1076 : memref<1x32x128xf32, #tpu.memory_space<vmem>> -> memref<32x128xf32, #tpu.memory_space<vmem>>
        %dma_start3A_1078 = arith.constant 0 : i32
        %dma_start3A_1079 = tpu.memref_slice %arg5[%dma_start3A_1078, %multiple_of3A_1072] : memref<32x1000000xf32, #tpu.memory_space<hbm>> -> memref<32x128xf32, #tpu.memory_space<hbm>>
        %dma_start3A_1080 = arith.constant 0 : i32
        %dma_start3A_1081 = arith.constant 0 : i32
        %dma_start3A_1082 = tpu.memref_slice %arg9[%dma_start3A_1073, %dma_start3A_1080, %dma_start3A_1081] : memref<16x32x128xf32, #tpu.memory_space<vmem>> -> memref<1x32x128xf32, #tpu.memory_space<vmem>>
        %dma_start3A_1083 = tpu.memref_squeeze %dma_start3A_1082 : memref<1x32x128xf32, #tpu.memory_space<vmem>> -> memref<32x128xf32, #tpu.memory_space<vmem>>
        %dma_start3A_1084 = arith.constant 0 : i32
        %dma_start3A_1085 = tpu.memref_slice %arg5[%dma_start3A_1084, %multiple_of3A_1072] : memref<32x1000000xf32, #tpu.memory_space<hbm>> -> memref<32x128xf32, #tpu.memory_space<hbm>>
        tpu.enqueue_dma source(%dma_start3A_1085 : memref<32x128xf32, #tpu.memory_space<hbm>>) target(%dma_start3A_1083 : memref<32x128xf32, #tpu.memory_space<vmem>>) target_semaphore(%arg16 : memref<!tpu.dma_semaphore, #tpu.memory_space<semaphore_mem>>)
      } else {
      }
      %dma_wait3A_835 = arith.constant 12 : i32
      %dma_wait3A_836 = arith.constant 0 : i32
      %dma_wait3A_837 = arith.constant 0 : i32
      %dma_wait3A_838 = tpu.memref_slice %arg9[%dma_wait3A_835, %dma_wait3A_836, %dma_wait3A_837] : memref<16x32x128xf32, #tpu.memory_space<vmem>> -> memref<1x32x128xf32, #tpu.memory_space<vmem>>
      %dma_wait3A_839 = tpu.memref_squeeze %dma_wait3A_838 : memref<1x32x128xf32, #tpu.memory_space<vmem>> -> memref<32x128xf32, #tpu.memory_space<vmem>>
      %dma_wait3A_840 = arith.constant 0 : i32
      %dma_wait3A_841 = arith.constant 0 : i32
      %dma_wait3A_842 = tpu.memref_slice %arg4[%dma_wait3A_840, %dma_wait3A_841] : memref<32x1000000xf32, #tpu.memory_space<hbm>> -> memref<32x128xf32, #tpu.memory_space<hbm>>
      %dma_wait3A_843 = arith.constant 0 : i32
      %dma_wait3A_844 = arith.constant 0 : i32
      %dma_wait3A_845 = tpu.memref_slice %arg9[%dma_wait3A_835, %dma_wait3A_843, %dma_wait3A_844] : memref<16x32x128xf32, #tpu.memory_space<vmem>> -> memref<1x32x128xf32, #tpu.memory_space<vmem>>
      %dma_wait3A_846 = tpu.memref_squeeze %dma_wait3A_845 : memref<1x32x128xf32, #tpu.memory_space<vmem>> -> memref<32x128xf32, #tpu.memory_space<vmem>>
      %dma_wait3A_847 = arith.constant 0 : i32
      %dma_wait3A_848 = arith.constant 0 : i32
      %dma_wait3A_849 = tpu.memref_slice %arg4[%dma_wait3A_847, %dma_wait3A_848] : memref<32x1000000xf32, #tpu.memory_space<hbm>> -> memref<32x128xf32, #tpu.memory_space<hbm>>
      tpu.wait_dma2 semaphore(%arg17 : memref<!tpu.dma_semaphore, #tpu.memory_space<semaphore_mem>>) src(%dma_wait3A_849 : memref<32x128xf32, #tpu.memory_space<hbm>>) dst(%dma_wait3A_846 : memref<32x128xf32, #tpu.memory_space<vmem>>)
      %dma_wait3A_850 = arith.constant 13 : i32
      %dma_wait3A_851 = arith.constant 0 : i32
      %dma_wait3A_852 = arith.constant 0 : i32
      %dma_wait3A_853 = tpu.memref_slice %arg9[%dma_wait3A_850, %dma_wait3A_851, %dma_wait3A_852] : memref<16x32x128xf32, #tpu.memory_space<vmem>> -> memref<1x32x128xf32, #tpu.memory_space<vmem>>
      %dma_wait3A_854 = tpu.memref_squeeze %dma_wait3A_853 : memref<1x32x128xf32, #tpu.memory_space<vmem>> -> memref<32x128xf32, #tpu.memory_space<vmem>>
      %dma_wait3A_855 = arith.constant 0 : i32
      %dma_wait3A_856 = arith.constant 0 : i32
      %dma_wait3A_857 = tpu.memref_slice %arg4[%dma_wait3A_855, %dma_wait3A_856] : memref<32x1000000xf32, #tpu.memory_space<hbm>> -> memref<32x128xf32, #tpu.memory_space<hbm>>
      %dma_wait3A_858 = arith.constant 0 : i32
      %dma_wait3A_859 = arith.constant 0 : i32
      %dma_wait3A_860 = tpu.memref_slice %arg9[%dma_wait3A_850, %dma_wait3A_858, %dma_wait3A_859] : memref<16x32x128xf32, #tpu.memory_space<vmem>> -> memref<1x32x128xf32, #tpu.memory_space<vmem>>
      %dma_wait3A_861 = tpu.memref_squeeze %dma_wait3A_860 : memref<1x32x128xf32, #tpu.memory_space<vmem>> -> memref<32x128xf32, #tpu.memory_space<vmem>>
      %dma_wait3A_862 = arith.constant 0 : i32
      %dma_wait3A_863 = arith.constant 0 : i32
      %dma_wait3A_864 = tpu.memref_slice %arg4[%dma_wait3A_862, %dma_wait3A_863] : memref<32x1000000xf32, #tpu.memory_space<hbm>> -> memref<32x128xf32, #tpu.memory_space<hbm>>
      tpu.wait_dma2 semaphore(%arg17 : memref<!tpu.dma_semaphore, #tpu.memory_space<semaphore_mem>>) src(%dma_wait3A_864 : memref<32x128xf32, #tpu.memory_space<hbm>>) dst(%dma_wait3A_861 : memref<32x128xf32, #tpu.memory_space<vmem>>)
      %add3A_865 = arith.constant 6 : i32
      %add3A_866 = arith.addi %mul3A_302, %add3A_865 : i32
      %mul3A_867 = arith.constant 1 : i32
      %mul3A_868 = arith.muli %add3A_866, %mul3A_867 : i32
      %get3A_869 = arith.index_cast %mul3A_868 : i32 to index
      %get3A_870 = tpu.vector_load %arg7[%get3A_869] {strides = array<i32>} : memref<528xi32, #tpu.memory_space<vmem>>, vector<16xi32>,
      %mul3A_871 = arith.constant 1 : i32
      %mul3A_872 = arith.muli %add3A_866, %mul3A_871 : i32
      %get3A_873 = arith.index_cast %mul3A_872 : i32 to index
      %get3A_874 = tpu.vector_load %arg8[%get3A_873] {strides = array<i32>} : memref<528xi32, #tpu.memory_space<vmem>>, vector<16xi32>,
      %slice3A_875 = vector.extract_strided_slice %get3A_870 {offsets = [0], sizes = [1], strides = [1]} : vector<16xi32> to vector<1xi32>
      %squeeze3A_876 = vector.extract %slice3A_875[0] : i32 from vector<1xi32>
      %and3A_877 = arith.constant 127 : i32
      %and3A_878 = arith.andi %squeeze3A_876, %and3A_877 : i32
      %broadcast_in_dim3A_879 = vector.broadcast %and3A_878 : i32 to vector<16xi32>
      %slice3A_880 = vector.extract_strided_slice %get3A_874 {offsets = [0], sizes = [1], strides = [1]} : vector<16xi32> to vector<1xi32>
      %squeeze3A_881 = vector.extract %slice3A_880[0] : i32 from vector<1xi32>
      %and3A_882 = arith.constant 127 : i32
      %and3A_883 = arith.andi %squeeze3A_881, %and3A_882 : i32
      %broadcast_in_dim3A_884 = vector.broadcast %and3A_883 : i32 to vector<16xi32>
      %broadcast_in_dim3A_885 = arith.constant 12 : i32
      %broadcast_in_dim3A_886 = vector.broadcast %broadcast_in_dim3A_885 : i32 to vector<16xi32>
      %broadcast_in_dim3A_887 = arith.constant 13 : i32
      %broadcast_in_dim3A_888 = vector.broadcast %broadcast_in_dim3A_887 : i32 to vector<16xi32>
      %gather3A_889 = tpu.vector_load_idx %arg9[%broadcast_in_dim3A_886, %iota3A, %broadcast_in_dim3A_879] : memref<16x32x128xf32, #tpu.memory_space<vmem>>[vector<16xi32>, vector<16xi32>, vector<16xi32>], vector<16xf32>,
      %gather3A_890 = tpu.vector_load_idx %arg9[%broadcast_in_dim3A_886, %add3A_5, %broadcast_in_dim3A_879] : memref<16x32x128xf32, #tpu.memory_space<vmem>>[vector<16xi32>, vector<16xi32>, vector<16xi32>], vector<16xf32>,
      %gather3A_891 = tpu.vector_load_idx %arg9[%broadcast_in_dim3A_888, %iota3A, %broadcast_in_dim3A_884] : memref<16x32x128xf32, #tpu.memory_space<vmem>>[vector<16xi32>, vector<16xi32>, vector<16xi32>], vector<16xf32>,
      %gather3A_892 = tpu.vector_load_idx %arg9[%broadcast_in_dim3A_888, %add3A_5, %broadcast_in_dim3A_884] : memref<16x32x128xf32, #tpu.memory_space<vmem>>[vector<16xi32>, vector<16xi32>, vector<16xi32>], vector<16xf32>,
      %add3A_893 = arith.addf %gather3A_889, %gather3A_891 : vector<16xf32>
      %mul3A_894 = arith.mulf %gather3A_889, %gather3A_891 : vector<16xf32>
      %add3A_895 = arith.addf %add3A_893, %mul3A_894 : vector<16xf32>
      %add3A_896 = arith.addf %gather3A_890, %gather3A_892 : vector<16xf32>
      %mul3A_897 = arith.mulf %gather3A_890, %gather3A_892 : vector<16xf32>
      %add3A_898 = arith.addf %add3A_896, %mul3A_897 : vector<16xf32>
      %add3A_899 = arith.addf %add3A_895, %add3A_898 : vector<16xf32>
      %add3A_900 = arith.constant 6 : i32
      %add3A_901 = arith.addi %mul3A_314, %add3A_900 : i32
      %add3A_902 = arith.constant 0 : i32
      %add3A_903 = arith.addi %add3A_901, %add3A_902 : i32
      %eq3A_904 = vector.broadcast %add3A_903 : i32 to vector<16xi32>
      %eq3A_905 = arith.cmpi eq, %iota3A, %eq3A_904 : vector<16xi32>
      %reduce_sum3A_906 = arith.constant true
      %reduce_sum3A_907 = vector.broadcast %reduce_sum3A_906 : i1 to vector<16xi1>
      %reduce_sum3A_908 = tpu.scan <sum>, %add3A_899 masked %reduce_sum3A_907 : vector<16xf32>, vector<16xi1> -> vector<16xf32>
      %reduce_sum3A_909 = vector.extract %reduce_sum3A_908[15] : f32 from vector<16xf32>
      %broadcast_in_dim3A_910 = vector.broadcast %reduce_sum3A_909 : f32 to vector<16xf32>
      %select_n3A_911 = arith.select %eq3A_905, %broadcast_in_dim3A_910, %select_n3A_825 : vector<16xi1>, vector<16xf32>
      %add3A_912 = arith.constant 7 : i32
      %add3A_913 = arith.addi %mul3A_302, %add3A_912 : i32
      %add3A_914 = arith.constant 7 : i32
      %add3A_915 = arith.addi %add3A_913, %add3A_914 : i32
      %lt3A_916 = arith.constant 512 : i32
      %lt3A_917 = arith.cmpi slt, %add3A_915, %lt3A_916 : i32
      %convert_element_type3A_918 = arith.extui %lt3A_917 : i1 to i32
      %cond3A_919 = arith.constant 0 : i32
      %cond3A_920 = arith.cmpi ne, %convert_element_type3A_918, %cond3A_919 : i32
      scf.if %cond3A_920 {
        %mul3A_1040 = arith.constant 1 : i32
        %mul3A_1041 = arith.muli %add3A_915, %mul3A_1040 : i32
        %get3A_1042 = arith.index_cast %mul3A_1041 : i32 to index
        %get3A_1043 = tpu.vector_load %arg7[%get3A_1042] {strides = array<i32>} : memref<528xi32, #tpu.memory_space<vmem>>, vector<16xi32>,
        %mul3A_1044 = arith.constant 1 : i32
        %mul3A_1045 = arith.muli %add3A_915, %mul3A_1044 : i32
        %get3A_1046 = arith.index_cast %mul3A_1045 : i32 to index
        %get3A_1047 = tpu.vector_load %arg8[%get3A_1046] {strides = array<i32>} : memref<528xi32, #tpu.memory_space<vmem>>, vector<16xi32>,
        %slice3A_1048 = vector.extract_strided_slice %get3A_1043 {offsets = [0], sizes = [1], strides = [1]} : vector<16xi32> to vector<1xi32>
        %squeeze3A_1049 = vector.extract %slice3A_1048[0] : i32 from vector<1xi32>
        %and3A_1050 = arith.constant 127 : i32
        %and3A_1051 = arith.andi %squeeze3A_1049, %and3A_1050 : i32
        %sub3A_1052 = arith.subi %squeeze3A_1049, %and3A_1051 : i32
        %multiple_of3A_1053 = tpu.assume_multiple %sub3A_1052, 128 : i32
        %dma_start3A_1054 = arith.constant 12 : i32
        %dma_start3A_1055 = arith.constant 0 : i32
        %dma_start3A_1056 = arith.constant 0 : i32
        %dma_start3A_1057 = tpu.memref_slice %arg9[%dma_start3A_1054, %dma_start3A_1055, %dma_start3A_1056] : memref<16x32x128xf32, #tpu.memory_space<vmem>> -> memref<1x32x128xf32, #tpu.memory_space<vmem>>
        %dma_start3A_1058 = tpu.memref_squeeze %dma_start3A_1057 : memref<1x32x128xf32, #tpu.memory_space<vmem>> -> memref<32x128xf32, #tpu.memory_space<vmem>>
        %dma_start3A_1059 = arith.constant 0 : i32
        %dma_start3A_1060 = tpu.memref_slice %arg4[%dma_start3A_1059, %multiple_of3A_1053] : memref<32x1000000xf32, #tpu.memory_space<hbm>> -> memref<32x128xf32, #tpu.memory_space<hbm>>
        %dma_start3A_1061 = arith.constant 0 : i32
        %dma_start3A_1062 = arith.constant 0 : i32
        %dma_start3A_1063 = tpu.memref_slice %arg9[%dma_start3A_1054, %dma_start3A_1061, %dma_start3A_1062] : memref<16x32x128xf32, #tpu.memory_space<vmem>> -> memref<1x32x128xf32, #tpu.memory_space<vmem>>
        %dma_start3A_1064 = tpu.memref_squeeze %dma_start3A_1063 : memref<1x32x128xf32, #tpu.memory_space<vmem>> -> memref<32x128xf32, #tpu.memory_space<vmem>>
        %dma_start3A_1065 = arith.constant 0 : i32
        %dma_start3A_1066 = tpu.memref_slice %arg4[%dma_start3A_1065, %multiple_of3A_1053] : memref<32x1000000xf32, #tpu.memory_space<hbm>> -> memref<32x128xf32, #tpu.memory_space<hbm>>
        tpu.enqueue_dma source(%dma_start3A_1066 : memref<32x128xf32, #tpu.memory_space<hbm>>) target(%dma_start3A_1064 : memref<32x128xf32, #tpu.memory_space<vmem>>) target_semaphore(%arg17 : memref<!tpu.dma_semaphore, #tpu.memory_space<semaphore_mem>>)
        %slice3A_1067 = vector.extract_strided_slice %get3A_1047 {offsets = [0], sizes = [1], strides = [1]} : vector<16xi32> to vector<1xi32>
        %squeeze3A_1068 = vector.extract %slice3A_1067[0] : i32 from vector<1xi32>
        %and3A_1069 = arith.constant 127 : i32
        %and3A_1070 = arith.andi %squeeze3A_1068, %and3A_1069 : i32
        %sub3A_1071 = arith.subi %squeeze3A_1068, %and3A_1070 : i32
        %multiple_of3A_1072 = tpu.assume_multiple %sub3A_1071, 128 : i32
        %dma_start3A_1073 = arith.constant 13 : i32
        %dma_start3A_1074 = arith.constant 0 : i32
        %dma_start3A_1075 = arith.constant 0 : i32
        %dma_start3A_1076 = tpu.memref_slice %arg9[%dma_start3A_1073, %dma_start3A_1074, %dma_start3A_1075] : memref<16x32x128xf32, #tpu.memory_space<vmem>> -> memref<1x32x128xf32, #tpu.memory_space<vmem>>
        %dma_start3A_1077 = tpu.memref_squeeze %dma_start3A_1076 : memref<1x32x128xf32, #tpu.memory_space<vmem>> -> memref<32x128xf32, #tpu.memory_space<vmem>>
        %dma_start3A_1078 = arith.constant 0 : i32
        %dma_start3A_1079 = tpu.memref_slice %arg5[%dma_start3A_1078, %multiple_of3A_1072] : memref<32x1000000xf32, #tpu.memory_space<hbm>> -> memref<32x128xf32, #tpu.memory_space<hbm>>
        %dma_start3A_1080 = arith.constant 0 : i32
        %dma_start3A_1081 = arith.constant 0 : i32
        %dma_start3A_1082 = tpu.memref_slice %arg9[%dma_start3A_1073, %dma_start3A_1080, %dma_start3A_1081] : memref<16x32x128xf32, #tpu.memory_space<vmem>> -> memref<1x32x128xf32, #tpu.memory_space<vmem>>
        %dma_start3A_1083 = tpu.memref_squeeze %dma_start3A_1082 : memref<1x32x128xf32, #tpu.memory_space<vmem>> -> memref<32x128xf32, #tpu.memory_space<vmem>>
        %dma_start3A_1084 = arith.constant 0 : i32
        %dma_start3A_1085 = tpu.memref_slice %arg5[%dma_start3A_1084, %multiple_of3A_1072] : memref<32x1000000xf32, #tpu.memory_space<hbm>> -> memref<32x128xf32, #tpu.memory_space<hbm>>
        tpu.enqueue_dma source(%dma_start3A_1085 : memref<32x128xf32, #tpu.memory_space<hbm>>) target(%dma_start3A_1083 : memref<32x128xf32, #tpu.memory_space<vmem>>) target_semaphore(%arg17 : memref<!tpu.dma_semaphore, #tpu.memory_space<semaphore_mem>>)
      } else {
      }
      %dma_wait3A_921 = arith.constant 14 : i32
      %dma_wait3A_922 = arith.constant 0 : i32
      %dma_wait3A_923 = arith.constant 0 : i32
      %dma_wait3A_924 = tpu.memref_slice %arg9[%dma_wait3A_921, %dma_wait3A_922, %dma_wait3A_923] : memref<16x32x128xf32, #tpu.memory_space<vmem>> -> memref<1x32x128xf32, #tpu.memory_space<vmem>>
      %dma_wait3A_925 = tpu.memref_squeeze %dma_wait3A_924 : memref<1x32x128xf32, #tpu.memory_space<vmem>> -> memref<32x128xf32, #tpu.memory_space<vmem>>
      %dma_wait3A_926 = arith.constant 0 : i32
      %dma_wait3A_927 = arith.constant 0 : i32
      %dma_wait3A_928 = tpu.memref_slice %arg4[%dma_wait3A_926, %dma_wait3A_927] : memref<32x1000000xf32, #tpu.memory_space<hbm>> -> memref<32x128xf32, #tpu.memory_space<hbm>>
      %dma_wait3A_929 = arith.constant 0 : i32
      %dma_wait3A_930 = arith.constant 0 : i32
      %dma_wait3A_931 = tpu.memref_slice %arg9[%dma_wait3A_921, %dma_wait3A_929, %dma_wait3A_930] : memref<16x32x128xf32, #tpu.memory_space<vmem>> -> memref<1x32x128xf32, #tpu.memory_space<vmem>>
      %dma_wait3A_932 = tpu.memref_squeeze %dma_wait3A_931 : memref<1x32x128xf32, #tpu.memory_space<vmem>> -> memref<32x128xf32, #tpu.memory_space<vmem>>
      %dma_wait3A_933 = arith.constant 0 : i32
      %dma_wait3A_934 = arith.constant 0 : i32
      %dma_wait3A_935 = tpu.memref_slice %arg4[%dma_wait3A_933, %dma_wait3A_934] : memref<32x1000000xf32, #tpu.memory_space<hbm>> -> memref<32x128xf32, #tpu.memory_space<hbm>>
      tpu.wait_dma2 semaphore(%arg18 : memref<!tpu.dma_semaphore, #tpu.memory_space<semaphore_mem>>) src(%dma_wait3A_935 : memref<32x128xf32, #tpu.memory_space<hbm>>) dst(%dma_wait3A_932 : memref<32x128xf32, #tpu.memory_space<vmem>>)
      %dma_wait3A_936 = arith.constant 15 : i32
      %dma_wait3A_937 = arith.constant 0 : i32
      %dma_wait3A_938 = arith.constant 0 : i32
      %dma_wait3A_939 = tpu.memref_slice %arg9[%dma_wait3A_936, %dma_wait3A_937, %dma_wait3A_938] : memref<16x32x128xf32, #tpu.memory_space<vmem>> -> memref<1x32x128xf32, #tpu.memory_space<vmem>>
      %dma_wait3A_940 = tpu.memref_squeeze %dma_wait3A_939 : memref<1x32x128xf32, #tpu.memory_space<vmem>> -> memref<32x128xf32, #tpu.memory_space<vmem>>
      %dma_wait3A_941 = arith.constant 0 : i32
      %dma_wait3A_942 = arith.constant 0 : i32
      %dma_wait3A_943 = tpu.memref_slice %arg4[%dma_wait3A_941, %dma_wait3A_942] : memref<32x1000000xf32, #tpu.memory_space<hbm>> -> memref<32x128xf32, #tpu.memory_space<hbm>>
      %dma_wait3A_944 = arith.constant 0 : i32
      %dma_wait3A_945 = arith.constant 0 : i32
      %dma_wait3A_946 = tpu.memref_slice %arg9[%dma_wait3A_936, %dma_wait3A_944, %dma_wait3A_945] : memref<16x32x128xf32, #tpu.memory_space<vmem>> -> memref<1x32x128xf32, #tpu.memory_space<vmem>>
      %dma_wait3A_947 = tpu.memref_squeeze %dma_wait3A_946 : memref<1x32x128xf32, #tpu.memory_space<vmem>> -> memref<32x128xf32, #tpu.memory_space<vmem>>
      %dma_wait3A_948 = arith.constant 0 : i32
      %dma_wait3A_949 = arith.constant 0 : i32
      %dma_wait3A_950 = tpu.memref_slice %arg4[%dma_wait3A_948, %dma_wait3A_949] : memref<32x1000000xf32, #tpu.memory_space<hbm>> -> memref<32x128xf32, #tpu.memory_space<hbm>>
      tpu.wait_dma2 semaphore(%arg18 : memref<!tpu.dma_semaphore, #tpu.memory_space<semaphore_mem>>) src(%dma_wait3A_950 : memref<32x128xf32, #tpu.memory_space<hbm>>) dst(%dma_wait3A_947 : memref<32x128xf32, #tpu.memory_space<vmem>>)
      %add3A_951 = arith.constant 7 : i32
      %add3A_952 = arith.addi %mul3A_302, %add3A_951 : i32
      %mul3A_953 = arith.constant 1 : i32
      %mul3A_954 = arith.muli %add3A_952, %mul3A_953 : i32
      %get3A_955 = arith.index_cast %mul3A_954 : i32 to index
      %get3A_956 = tpu.vector_load %arg7[%get3A_955] {strides = array<i32>} : memref<528xi32, #tpu.memory_space<vmem>>, vector<16xi32>,
      %mul3A_957 = arith.constant 1 : i32
      %mul3A_958 = arith.muli %add3A_952, %mul3A_957 : i32
      %get3A_959 = arith.index_cast %mul3A_958 : i32 to index
      %get3A_960 = tpu.vector_load %arg8[%get3A_959] {strides = array<i32>} : memref<528xi32, #tpu.memory_space<vmem>>, vector<16xi32>,
      %slice3A_961 = vector.extract_strided_slice %get3A_956 {offsets = [0], sizes = [1], strides = [1]} : vector<16xi32> to vector<1xi32>
      %squeeze3A_962 = vector.extract %slice3A_961[0] : i32 from vector<1xi32>
      %and3A_963 = arith.constant 127 : i32
      %and3A_964 = arith.andi %squeeze3A_962, %and3A_963 : i32
      %broadcast_in_dim3A_965 = vector.broadcast %and3A_964 : i32 to vector<16xi32>
      %slice3A_966 = vector.extract_strided_slice %get3A_960 {offsets = [0], sizes = [1], strides = [1]} : vector<16xi32> to vector<1xi32>
      %squeeze3A_967 = vector.extract %slice3A_966[0] : i32 from vector<1xi32>
      %and3A_968 = arith.constant 127 : i32
      %and3A_969 = arith.andi %squeeze3A_967, %and3A_968 : i32
      %broadcast_in_dim3A_970 = vector.broadcast %and3A_969 : i32 to vector<16xi32>
      %broadcast_in_dim3A_971 = arith.constant 14 : i32
      %broadcast_in_dim3A_972 = vector.broadcast %broadcast_in_dim3A_971 : i32 to vector<16xi32>
      %broadcast_in_dim3A_973 = arith.constant 15 : i32
      %broadcast_in_dim3A_974 = vector.broadcast %broadcast_in_dim3A_973 : i32 to vector<16xi32>
      %gather3A_975 = tpu.vector_load_idx %arg9[%broadcast_in_dim3A_972, %iota3A, %broadcast_in_dim3A_965] : memref<16x32x128xf32, #tpu.memory_space<vmem>>[vector<16xi32>, vector<16xi32>, vector<16xi32>], vector<16xf32>,
      %gather3A_976 = tpu.vector_load_idx %arg9[%broadcast_in_dim3A_972, %add3A_5, %broadcast_in_dim3A_965] : memref<16x32x128xf32, #tpu.memory_space<vmem>>[vector<16xi32>, vector<16xi32>, vector<16xi32>], vector<16xf32>,
      %gather3A_977 = tpu.vector_load_idx %arg9[%broadcast_in_dim3A_974, %iota3A, %broadcast_in_dim3A_970] : memref<16x32x128xf32, #tpu.memory_space<vmem>>[vector<16xi32>, vector<16xi32>, vector<16xi32>], vector<16xf32>,
      %gather3A_978 = tpu.vector_load_idx %arg9[%broadcast_in_dim3A_974, %add3A_5, %broadcast_in_dim3A_970] : memref<16x32x128xf32, #tpu.memory_space<vmem>>[vector<16xi32>, vector<16xi32>, vector<16xi32>], vector<16xf32>,
      %add3A_979 = arith.addf %gather3A_975, %gather3A_977 : vector<16xf32>
      %mul3A_980 = arith.mulf %gather3A_975, %gather3A_977 : vector<16xf32>
      %add3A_981 = arith.addf %add3A_979, %mul3A_980 : vector<16xf32>
      %add3A_982 = arith.addf %gather3A_976, %gather3A_978 : vector<16xf32>
      %mul3A_983 = arith.mulf %gather3A_976, %gather3A_978 : vector<16xf32>
      %add3A_984 = arith.addf %add3A_982, %mul3A_983 : vector<16xf32>
      %add3A_985 = arith.addf %add3A_981, %add3A_984 : vector<16xf32>
      %add3A_986 = arith.constant 7 : i32
      %add3A_987 = arith.addi %mul3A_314, %add3A_986 : i32
      %add3A_988 = arith.constant 0 : i32
      %add3A_989 = arith.addi %add3A_987, %add3A_988 : i32
      %eq3A_990 = vector.broadcast %add3A_989 : i32 to vector<16xi32>
      %eq3A_991 = arith.cmpi eq, %iota3A, %eq3A_990 : vector<16xi32>
      %reduce_sum3A_992 = arith.constant true
      %reduce_sum3A_993 = vector.broadcast %reduce_sum3A_992 : i1 to vector<16xi1>
      %reduce_sum3A_994 = tpu.scan <sum>, %add3A_985 masked %reduce_sum3A_993 : vector<16xf32>, vector<16xi1> -> vector<16xf32>
      %reduce_sum3A_995 = vector.extract %reduce_sum3A_994[15] : f32 from vector<16xf32>
      %broadcast_in_dim3A_996 = vector.broadcast %reduce_sum3A_995 : f32 to vector<16xf32>
      %select_n3A_997 = arith.select %eq3A_991, %broadcast_in_dim3A_996, %select_n3A_911 : vector<16xi1>, vector<16xf32>
      %jit3A_998 = arith.constant 2 : i32
      %eq3A_999 = arith.constant 0 : i32
      %eq3A_1000 = arith.cmpi eq, %jit3A_998, %eq3A_999 : i32
      %jit3A_1001 = arith.constant 1 : i32
      %select_n3A_1002 = arith.select %eq3A_1000, %jit3A_1001, %jit3A_998 : i32
      %rem3A_1003 = arith.remsi %scan3A_299, %select_n3A_1002 : i32
      %ne3A_1004 = arith.constant 0 : i32
      %ne3A_1005 = arith.cmpi ne, %rem3A_1003, %ne3A_1004 : i32
      %lt3A_1006 = arith.constant 0 : i32
      %lt3A_1007 = arith.cmpi slt, %rem3A_1003, %lt3A_1006 : i32
      %lt3A_1008 = arith.constant 0 : i32
      %lt3A_1009 = arith.cmpi slt, %select_n3A_1002, %lt3A_1008 : i32
      %ne3A_1010 = arith.xori %lt3A_1007, %lt3A_1009 : i1
      %and3A_1011 = arith.andi %ne3A_1010, %ne3A_1005 : i1
      %add3A_1012 = arith.addi %rem3A_1003, %select_n3A_1002 : i32
      %select_n3A_1013 = arith.select %and3A_1011, %add3A_1012, %rem3A_1003 : i32
      %eq3A_1014 = arith.constant 1 : i32
      %eq3A_1015 = arith.cmpi eq, %select_n3A_1013, %eq3A_1014 : i32
      %convert_element_type3A_1016 = arith.extui %eq3A_1015 : i1 to i32
      %cond3A_1017 = arith.constant 0 : i32
      %cond3A_1018 = arith.cmpi ne, %convert_element_type3A_1016, %cond3A_1017 : i32
      scf.if %cond3A_1018 {
        %jit3A_1040 = arith.constant 2 : i32
        %div3A = arith.divsi %scan3A_299, %jit3A_1040 : i32
        %sign3A = arith.constant 0 : i32
        %sign3A_1041 = arith.cmpi sgt, %scan3A_299, %sign3A : i32
        %sign3A_1042 = arith.extui %sign3A_1041 : i1 to i32
        %sign3A_1043 = arith.constant 0 : i32
        %sign3A_1044 = arith.cmpi slt, %scan3A_299, %sign3A_1043 : i32
        %sign3A_1045 = arith.extui %sign3A_1044 : i1 to i32
        %sign3A_1046 = arith.subi %sign3A_1042, %sign3A_1045 : i32
        %sign3A_1047 = arith.constant 0 : i32
        %sign3A_1048 = arith.cmpi sgt, %jit3A_1040, %sign3A_1047 : i32
        %sign3A_1049 = arith.extui %sign3A_1048 : i1 to i32
        %sign3A_1050 = arith.constant 0 : i32
        %sign3A_1051 = arith.cmpi slt, %jit3A_1040, %sign3A_1050 : i32
        %sign3A_1052 = arith.extui %sign3A_1051 : i1 to i32
        %sign3A_1053 = arith.subi %sign3A_1049, %sign3A_1052 : i32
        %ne3A_1054 = arith.cmpi ne, %sign3A_1046, %sign3A_1053 : i32
        %rem3A_1055 = arith.remsi %scan3A_299, %jit3A_1040 : i32
        %ne3A_1056 = arith.constant 0 : i32
        %ne3A_1057 = arith.cmpi ne, %rem3A_1055, %ne3A_1056 : i32
        %and3A_1058 = arith.andi %ne3A_1054, %ne3A_1057 : i1
        %sub3A_1059 = arith.constant 1 : i32
        %sub3A_1060 = arith.subi %div3A, %sub3A_1059 : i32
        %select_n3A_1061 = arith.select %and3A_1058, %sub3A_1060, %div3A : i32
        %mul3A_1062 = arith.constant 16 : i32
        %mul3A_1063 = arith.muli %select_n3A_1061, %mul3A_1062 : i32
        %swap3A = arith.index_cast %mul3A_1063 : i32 to index
        %swap3A_1064 = tpu.vector_load %arg10[%swap3A] {strides = array<i32>} : memref<512xf32, #tpu.memory_space<vmem>>, vector<16xf32>,
        tpu.vector_store %arg10[%swap3A], %select_n3A_997 {strides = array<i32>} : memref<512xf32, #tpu.memory_space<vmem>>, vector<16xf32>,
      } else {
      }
      %jit3A_1019 = arith.constant 2 : i32
      %eq3A_1020 = arith.constant 0 : i32
      %eq3A_1021 = arith.cmpi eq, %jit3A_1019, %eq3A_1020 : i32
      %jit3A_1022 = arith.constant 1 : i32
      %select_n3A_1023 = arith.select %eq3A_1021, %jit3A_1022, %jit3A_1019 : i32
      %rem3A_1024 = arith.remsi %scan3A_299, %select_n3A_1023 : i32
      %ne3A_1025 = arith.constant 0 : i32
      %ne3A_1026 = arith.cmpi ne, %rem3A_1024, %ne3A_1025 : i32
      %lt3A_1027 = arith.constant 0 : i32
      %lt3A_1028 = arith.cmpi slt, %rem3A_1024, %lt3A_1027 : i32
      %lt3A_1029 = arith.constant 0 : i32
      %lt3A_1030 = arith.cmpi slt, %select_n3A_1023, %lt3A_1029 : i32
      %ne3A_1031 = arith.xori %lt3A_1028, %lt3A_1030 : i1
      %and3A_1032 = arith.andi %ne3A_1031, %ne3A_1026 : i1
      %add3A_1033 = arith.addi %rem3A_1024, %select_n3A_1023 : i32
      %select_n3A_1034 = arith.select %and3A_1032, %add3A_1033, %rem3A_1024 : i32
      %eq3A_1035 = arith.constant 1 : i32
      %eq3A_1036 = arith.cmpi eq, %select_n3A_1034, %eq3A_1035 : i32
      %broadcast_in_dim3A_1037 = arith.constant 0.000000e+00 : f32
      %broadcast_in_dim3A_1038 = vector.broadcast %broadcast_in_dim3A_1037 : f32 to vector<16xf32>
      %select_n3A_1039 = arith.select %eq3A_1036, %broadcast_in_dim3A_1038, %select_n3A_997 : vector<16xf32>
      scf.yield %select_n3A_1039 : vector<16xf32>
    }
    %scan3A_298 = arith.constant 64 : i32
    "tpu.region"() ({
      %run_scoped3A = tpu.sem_alloc : memref<!tpu.dma_semaphore, #tpu.memory_space<semaphore_mem>>
      %dma_start3A_299 = tpu.memref_slice %arg6[%mul3A_2] : memref<16384xf32, #tpu.memory_space<hbm>> -> memref<512xf32, #tpu.memory_space<hbm>>
      %dma_start3A_300 = tpu.memref_slice %arg6[%mul3A_2] : memref<16384xf32, #tpu.memory_space<hbm>> -> memref<512xf32, #tpu.memory_space<hbm>>
      tpu.enqueue_dma source(%arg10 : memref<512xf32, #tpu.memory_space<vmem>>) target(%dma_start3A_300 : memref<512xf32, #tpu.memory_space<hbm>>) target_semaphore(%run_scoped3A : memref<!tpu.dma_semaphore, #tpu.memory_space<semaphore_mem>>)
      %dma_wait3A = tpu.memref_slice %arg6[%mul3A_2] : memref<16384xf32, #tpu.memory_space<hbm>> -> memref<512xf32, #tpu.memory_space<hbm>>
      %dma_wait3A_301 = tpu.memref_slice %arg6[%mul3A_2] : memref<16384xf32, #tpu.memory_space<hbm>> -> memref<512xf32, #tpu.memory_space<hbm>>
      tpu.wait_dma2 semaphore(%run_scoped3A : memref<!tpu.dma_semaphore, #tpu.memory_space<semaphore_mem>>) src(%arg10 : memref<512xf32, #tpu.memory_space<vmem>>) dst(%dma_wait3A_301 : memref<512xf32, #tpu.memory_space<hbm>>)
      tpu.yield
    }) : () -> ()
    return
  }
}

</mosaic_0001>

<sc_bundles>
// kernel: kernel.3.cloned.1.call-start
scs
__scs_entry_jumppad:
0x0: {  	(pc) =	sbr.rel $0x88, $3  }
0x1: {  	(tag) =	ssettag $0x0;
	lr =	simm.s32 $0x1  }
0x2: {  	[smem:$0x3F9D] =	sst lr;
	_ =	strace $0xD0000000  }
0x3: {  	_ = 	snop  }
0x4: {  	_ = 	snop  }
0x5: {  	_ = 	snop  }
0x6: {  	_ = 	snop  }
0x7: {  	_ = 	snop  }
__scs_overlays_trampoline_lowered:
0x8: {  	[smem:$0x3FAC] =	sst s0  }
0x9: {  	[smem:$0x3FAD] =	sst s1  }
0xa: {  	[smem:$0x3FAE] =	sst s2  }
0xb: {  	[smem:$0x3FAF] =	sst s3  }
0xc: {  	[smem:$0x3FB0] =	sst s4  }
0xd: {  	[smem:$0x3FB1] =	sst s5  }
0xe: {  	[smem:$0x3FB2] =	sst s6  }
0xf: {  	[smem:$0x3FB3] =	sst s7  }
0x10: {  	[smem:$0x3FB4] =	sst s8  }
0x11: {  	[smem:$0x3FB5] =	sst s9;
	s0 =	simm.s32 @!p0 $0x0  }
0x12: {  	s1 =	sld [smem:$0x3F9B];
	s0 =	simm.s32 @p0 $0x1  }
0x13: {  	[smem:$0x3FB6] =	sst s0;
	s0 =	simm.s32 @!p1 $0x0  }
0x14: {  	s2 =	sld [smem:$0x3F9A];
	s0 =	simm.s32 @p1 $0x1  }
0x15: {  	[smem:$0x3FB7] =	sst s0;
	s0 =	simm.s32 @!p2 $0x0  }
0x16: {  	s3 =	sld [smem:$0x3FDB];
	s0 =	simm.s32 @p2 $0x1  }
0x17: {  	s4 =	simm.s32 $0x1BF5;
	[smem:$0x3FB9] =	sst s0  }
0x18: {  	s0 =	sld [smem:$0x3F9C];
	_ =	swait.ge [sflag:s4], $0x0  }
0x19: {  	s7 =	sld [smem:$0x3F9D]  }
0x1a: {  	s8 =	sadd.s32 $0xFFFFE003, lr  }
0x1b: {  	s9 =	sadd.s32 $0xFFFFFEF7, lr;
	s5 =	simm.s32 $0xFFFFFFFF;
	p2 =	slt.u32 s8, $0xFFFFF086  }
0x1c: {  	p1 =	slt.u32 s9, $0xF7A;
	s5 =	simm.s32 @!p2 $0x0  }
0x1d: {  	s5 =	simm.s32 @p1 $0x1;
	p0 =	seq.s32 s7, s2  }
0x1e: {  	s7 =	smul.u32 @!p0 $0xF7A, s2;
	p2 =	seq.s32 @!p0 s5, $0x0  }
0x1f: {  	s9 =	smul.u32 $0xF7A, s1;
	s8 =	simm.s32 @!p0 $0x1BF5;
	p2 =	por !p2, p0  }
0x20: {  	[sflag:s8] =	ssyncset.s32 @!p0 $0xFFFFF086;
	s6 =	sadd.s32 @!p0 s3, s7;
	s7 =	simm.s32 @!p0 $0x108  }
0x21: {  	s3 =	sadd.s32 s3, s9;
	s6 =	sadd.s32 @!p0 $0x88, s6;
	s7 =	simm.s32 @p2 $0x1082  }
0x22: {  	[simem:s7], [sflag:s8] =	dma.local @!p0 [hbm:s6], $0xF7A  }
0x23: {  	s9 =	sor.u32 $0xD0000000, s2;
	s6 =	simm.s32 $0x108;
	_ =	swait.ge @!p0 [sflag:s8], $0x0  }
0x24: {  	s3 =	sadd.s32 $0x88, s3;
	s6 =	simm.s32 @!p1 $0x1082;
	[sflag:s4] =	ssyncset.s32 $0xFFFFF086  }
0x25: {  	[simem:s6], [sflag:s4] =	dma.local [hbm:s3], $0xF7A  }
0x26: {  	[smem:$0x3F9D] =	sst s1;
	(tag) =	ssettag s2;
	_ =	strace s9  }
0x27: {  	s1 =	sld [smem:$0x3FAD]  }
0x28: {  	s2 =	sld [smem:$0x3FAE]  }
0x29: {  	s4 =	sld [smem:$0x3FB0]  }
0x2a: {  	p0 =	seq.s32 s5, $0x0;
	s5 =	sld [smem:$0x3FB1]  }
0x2b: {  	s6 =	sld [smem:$0x3FB2]  }
0x2c: {  	s7 =	sld [smem:$0x3FB3]  }
0x2d: {  	s3 =	simm.s32 $0x108;
	s8 =	sld [smem:$0x3FB4]  }
0x2e: {  	s3 =	simm.s32 @!p0 $0x1082;
	s9 =	sld [smem:$0x3FB5]  }
0x2f: {  	lr =	sadd.s32 s0, s3;
	s0 =	sld [smem:$0x3FAC]  }
0x30: {  	s3 =	sld [smem:$0x3FAF]  }
0x31: {  	[smem:$0x3FB8] =	sst s10  }
0x32: {  	s10 =	sld [smem:$0x3FB6];
	_ =	sdelay $0x3  }
0x33: {  	p0 =	seq.s32 s10, $0x1;
	s10 =	sld [smem:$0x3FB8];
	_ =	sdelay $0x3  }
0x34: {  	[smem:$0x3FB8] =	sst s10  }
0x35: {  	s10 =	sld [smem:$0x3FB7];
	_ =	sdelay $0x3  }
0x36: {  	p1 =	seq.s32 s10, $0x1;
	s10 =	sld [smem:$0x3FB8];
	_ =	sdelay $0x3  }
0x37: {  	[smem:$0x3FB8] =	sst s10  }
0x38: {  	s10 =	sld [smem:$0x3FB9]  }
0x39: {  	_ = 	snop;
	(pc) =	sbr.ind lr, $3  }
0x3a: {  	_ = 	snop  }
0x3b: {  	_ = 	snop  }
0x3c: {  	p2 =	seq.s32 s10, $0x1;
	s10 =	sld [smem:$0x3FB8]  }
0x3d: {  	_ =	shalt  }
0x3e: {  	_ =	shalt  }
0x3f: {  	_ =	shalt  }
0x40: {  	_ =	shalt  }
0x41: {  	_ =	shalt  }
0x42: {  	_ =	shalt  }
0x43: {  	_ =	shalt  }
0x44: {  	_ =	shalt  }
0x45: {  	_ =	shalt  }
0x46: {  	_ =	shalt  }
0x47: {  	_ =	shalt  }
0x48: {  	_ =	shalt  }
0x49: {  	_ =	shalt  }
0x4a: {  	_ =	shalt  }
0x4b: {  	_ =	shalt  }
0x4c: {  	_ =	shalt  }
0x4d: {  	_ =	shalt  }
0x4e: {  	_ =	shalt  }
0x4f: {  	_ =	shalt  }
0x50: {  	_ =	shalt  }
0x51: {  	_ =	shalt  }
0x52: {  	_ =	shalt  }
0x53: {  	_ =	shalt  }
0x54: {  	_ =	shalt  }
0x55: {  	_ =	shalt  }
0x56: {  	_ =	shalt  }
0x57: {  	_ =	shalt  }
0x58: {  	_ =	shalt  }
0x59: {  	_ =	shalt  }
0x5a: {  	_ =	shalt  }
0x5b: {  	_ =	shalt  }
0x5c: {  	_ =	shalt  }
0x5d: {  	_ =	shalt  }
0x5e: {  	_ =	shalt  }
0x5f: {  	_ =	shalt  }
0x60: {  	_ =	shalt  }
0x61: {  	_ =	shalt  }
0x62: {  	_ =	shalt  }
0x63: {  	_ =	shalt  }
0x64: {  	_ =	shalt  }
0x65: {  	_ =	shalt  }
0x66: {  	_ =	shalt  }
0x67: {  	_ =	shalt  }
0x68: {  	_ =	shalt  }
0x69: {  	_ =	shalt  }
0x6a: {  	_ =	shalt  }
0x6b: {  	_ =	shalt  }
0x6c: {  	_ =	shalt  }
0x6d: {  	_ =	shalt  }
0x6e: {  	_ =	shalt  }
0x6f: {  	_ =	shalt  }
0x70: {  	_ =	shalt  }
0x71: {  	_ =	shalt  }
0x72: {  	_ =	shalt  }
0x73: {  	_ =	shalt  }
0x74: {  	_ =	shalt  }
0x75: {  	_ =	shalt  }
0x76: {  	_ =	shalt  }
0x77: {  	_ =	shalt  }
0x78: {  	_ =	shalt  }
0x79: {  	_ =	shalt  }
0x7a: {  	_ =	shalt  }
0x7b: {  	_ =	shalt  }
0x7c: {  	_ =	shalt  }
0x7d: {  	_ =	shalt  }
0x7e: {  	_ =	shalt  }
0x7f: {  	_ =	shalt  }
0x80: {  	_ =	shalt  }
0x81: {  	_ =	shalt  }
0x82: {  	_ =	shalt  }
0x83: {  	_ =	shalt  }
0x84: {  	_ =	shalt  }
0x85: {  	_ =	shalt  }
0x86: {  	_ =	shalt  }
0x87: {  	_ =	shalt  }
.Lfunc_end0:
.L_simem_size_0:
called_computation_lowered:
.L_overlay_start_0:
0x88: {  	s2 =	sld [smem:$0x3FD9]  }
0x89: {  	s3 =	sld [smem:$0x3FFE];
	_ =	sdelay $0x1  }
0x8a: {  	s1 =	srdreg.scid  }
0x8b: {  	s0 =	sand.u32 $0x1, s1  }
0x8c: {  	s18 =	sshll.u32 s0, $0xA;
	s2 =	sadd.s32 s3, s2  }
0x8d: {  	s2 =	sadd.s32 s2, s18  }
0x8e: {  	[smem:$0x3FC4] =	sst s2  }
0x8f: {  	_ = 	snop  }
0x90: {  	s2 =	sld [smem:$0x3FC9]  }
0x91: {  	s19 =	sld [smem:$0x3FC8]  }
0x92: {  	s4 =	sld [smem:$0x3FC7]  }
0x93: {  	s5 =	sld [smem:$0x3FC6]  }
0x94: {  	s6 =	sld [smem:$0x3FD0];
	(tm) =	ssettm $0x1  }
0x95: {  	s7 =	sld [smem:$0x3FFB];
	_ =	sdelay $0x3  }
0x96: {  	_ =	strace s7  }
0x97: {  	s7 =	sld [smem:$0x3FFC];
	_ =	sdelay $0x3  }
0x98: {  	_ =	strace s7  }
0x99: {  	s7 =	sld [smem:$0x3FFD];
	_ =	sdelay $0x3  }
0x9a: {  	_ =	strace s7  }
0x9b: {  	_ =	strace $0x8FFFFFFF  }
0x9c: {  	s20 =	sld [smem:$0x3FDB];
	_ =	sdelay $0x1  }
0x9d: {  	s8 =	simm.s32 $_scs_section_size  }
0x9e: {  	s9 =	simm.s32 $_size__tile_overlayer_lowered;
	s10 =	simm.s32 $_tile_overlayer_lowered  }
0x9f: {  	s23 =	simm.s32 $0x1BFF;
	s22 =	sshll.u32 s10, $0x1;
	s7 =	sadd.s32 s8, s20  }
0xa0: {  	s11 =	simm.s32 $0x0;
	s21 =	sshll.u32 s9, $0x1;
	s9 =	sadd.s32 s22, s7  }
0xa1: {  	[timem:s11], [sflag:s23] =	dma.local [hbm:s9], s21  }
0xa2: {  	_ =	swait.ge [sflag:s23], s21  }
0xa3: {  	s8 =	ssub.s32 $0x0, s21;
	[sflag:s23] =	ssyncset.done $0x0  }
0xa4: {  	[sflag:s23] =	ssyncadd.s32 s8;
	_ =	sdelay $0x1  }
0xa5: {  	s24 =	simm.s32 $0x1B8B  }
0xa6: {  	_ =	swait.ge [sflag:s24], $0x1  }
0xa7: {  	[sflag:s24] =	ssyncset.done $0x0  }
0xa8: {  	s25 =	simm.s32 $0x1B8E;
	[sflag:s24] =	ssyncadd.s32 $0xFFFFFFFF  }
0xa9: {  	s26 =	simm.s32 $execute0_lowered;
	[smem:$0x3FD2] =	sst s25  }
0xaa: {  	s8 =	sshll.u32 s26, $0x1;
	_ =	strace $0x80000046;
	[dreg:$0x1] =	wrdreg $0xFFFFFFFF  }
0xab: {  	s28 =	simm.s32 $_size_execute0_lowered;
	s7 =	sadd.s32 s7, s8;
	[dreg:$0x0] =	wrdreg $0x0  }
0xac: {  	s8 =	sshll.u32 s28, $0x1;
	[dreg:$0x2] =	wrdreg s7  }
0xad: {  	[dreg:$0x3] =	wrdreg s8  }
0xae: {  	[dreg:$0x4] =	wrdreg $0xC0  }
0xaf: {  	_ =	task [dreg:s11], $0x5FFFF  }
0xb0: {  	[dreg:$0x1] =	wrdreg $0xFFFFFFFF  }
0xb1: {  	[dreg:$0x0] =	wrdreg $0x60  }
0xb2: {  	[dreg:$0x2] =	wrdreg s2  }
0xb3: {  	[dreg:$0x3] =	wrdreg s19  }
0xb4: {  	[dreg:$0x4] =	wrdreg s4  }
0xb5: {  	[dreg:$0x5] =	wrdreg s5  }
0xb6: {  	[dreg:$0x6] =	wrdreg s6  }
0xb7: {  	[dreg:$0x7] =	wrdreg $0x9  }
0xb8: {  	_ =	task.clear_ibuf [dreg:s11], $0x8FFFF;
	_ =	strace $0x90000046  }
0xb9: {  	s29 =	simm.s32 $0x9;
	_ =	strace $0x80000048  }
0xba: {  	_ =	swait.ge [sflag:s29], $0x1  }
0xbb: {  	[sflag:s29] =	ssyncadd.s32 $0xFFFFFFFF  }
0xbc: {  	_ =	strace $0x90000048  }
0xbd: {  	_ =	sfence  }
0xbe: {  	s30 =	sld [smem:$0x0];
	_ =	sdelay $0x2  }
0xbf: {  	s31 =	sshll.u32 s1, $0xD;
	s1 =	sshrl.u32 s1, $0x2  }
0xc0: {  	s3 =	sand.u32 $0x4000, s31;
	s1 =	sadd.s32 s1, s30  }
0xc1: {  	s0 =	sor.u32 s3, s0;
	s1 =	sshll.u32 s1, $0x11  }
0xc2: {  	s0 =	sor.u32 s1, s0  }
0xc3: {  	s0 =	sadd.s32 $0x8F2B, s0  }
0xc4: {  	[sflag:s0] =	ssyncadd.remote.s32 $0x1  }
0xc5: {  	_ =	sfence.sel $0xFFFF  }
0xc6: {  	[dreg:$0x0] =	wrdreg $0xFFFFFFFF;
	(pc) =	sbr.abs _section_cstart, $3  }
0xc7: {  	[dreg:$0x1] =	wrdreg $0xFFFFFFFF  }
0xc8: {  	_ =	task.clear_ibuf [dreg:s11], $0x2FFFF;
	_ =	strace $0x9FFFFFFF  }
0xc9: {  	(tm) =	ssettm $0x7FFFFFFF  }
tec
execute0_lowered:
.L_overlay_start_1:
0x0: {  	(tag) =	ssettag $0x1  }
0x1: {  	s0 =	rddreg [dreg:$0x0]  }
0x2: {  	s3 =	rddreg [dreg:$0x1]  }
0x3: {  	s1 =	rddreg [dreg:$0x2]  }
0x4: {  	s2 =	rddreg [dreg:$0x3];
	v0 =	vlaneseq.u32  }
0x5: {  	s7 =	rddreg [dreg:$0x4];
	v1 =	vmul.u32 $0x80, v0  }
0x6: {  	s5 =	srdreg.scid;
	s4 =	simm.s32 $0x0;
	s9 =	stileid.u32  }
0x7: {  	s10 =	simm.s32 $0x400;
	s12 =	simm.s32 $0x7A1400;
	s13 =	simm.s32 $0x500;
	v2 =	vor.u32 $0x800, v1  }
0x8: {  	s25 =	simm.s32 $0xE500;
	s26 =	simm.s32 $0xF500;
	s28 =	simm.s32 $0x1;
	v3 =	vor.u32 $0x1000, v1;
	v4 =	vor.u32 $0x1800, v1;
	v5 =	vor.u32 $0x2000, v1  }
0x9: {  	s29 =	simm.s32 $0x2;
	s30 =	simm.s32 $0x3;
	s31 =	simm.s32 $0x4;
	v6 =	vor.u32 $0x2800, v1;
	v7 =	vor.u32 $0x3000, v1;
	v8 =	vor.u32 $0x3800, v1  }
0xa: {  	s14 =	simm.s32 $0x8;
	s15 =	simm.s32 $0x10500;
	s16 =	simm.s32 $0x0;
	v9 =	vor.u32 $0x4000, v1;
	v10 =	vor.u32 $0x4800, v1;
	v11 =	vor.u32 $0x5000, v1  }
0xb: {  	s5 =	sand.u32 $0x1, s5;
	[smem:$0x7FF] =	sst s4;
	s9 =	sshll.u32 s9, $0x7;
	v12 =	vor.u32 $0x5800, v1;
	v13 =	vor.u32 $0x6000, v1;
	v14 =	vor.u32 $0x6800, v1  }
0xc: {  	s6 =	ssub.s32 $0x2, s5;
	_ =	strace $0x80000047;
	[dreg:$0x6] =	wrdreg s25;
	v15 =	vor.u32 $0x7000, v1;
	v16 =	vor.u32 $0x7800, v1;
	v17 =	vor.u32 $0x8000, v1  }
0xd: {  	s5 =	sshll.u32 s5, $0x6;
	[dreg:$0x7] =	wrdreg s26;
	s25 =	simm.s32 $0xC500;
	v18 =	vor.u32 $0x8800, v1;
	v19 =	vor.u32 $0x9000, v1;
	v20 =	vor.u32 $0x9800, v1  }
0xe: {  	s26 =	simm.s32 $0xD500;
	s8 =	sshrl.u32 s6, $0x1;
	s24 =	sor.u32 s5, s9;
	v21 =	vor.u32 $0xA000, v1;
	v22 =	vor.u32 $0xA800, v1;
	v23 =	vor.u32 $0xB000, v1  }
0xf: {  	v24 =	vor.u32 $0xB800, v1;
	v25 =	vor.u32 $0xC000, v1;
	v26 =	vor.u32 $0xC800, v1;
	s9 =	simm.s32 $0x7;
	s11 =	ssub.s32 s6, s8;
	s5 =	sadd.s32 s0, s24  }
0x10: {  	v27 =	vor.u32 $0xD000, v1;
	v28 =	vor.u32 $0xD800, v1;
	v29 =	vor.u32 $0xE000, v1;
	s6 =	sadd.s32 s3, s24;
	s7 =	sadd.s32 s7, s24;
	s8 =	simm.s32 $0x9  }
0x11: {  	v30 =	vor.u32 $0xE800, v1;
	v31 =	vor.u32 $0xF000, v1;
	v32 =	vor.u32 $0xF800, v1;
	s0 =	simm.s32 $0x5;
	s3 =	simm.s32 $0x6;
	s11 =	smax.u32 s11, $0x1  }
.LBB2_1:
0x12: {  	[tilespmem:s4], [sflag:$0x9] =	stream.linear.gather [hbm4b:s5+s4], $0x200, $0x38;
	[tilespmem:$0x10700] =	vst v63  }
0x13: {  	_ =	swait.ge [sflag:s8], $0x200  }
0x14: {  	[sflag:s8] =	ssyncset.done $0x0  }
0x15: {  	s17 =	simm.s32 $0x280;
	[sflag:s8] =	ssyncadd.s32 $0xFFFFFE00  }
0x16: {  	[tilespmem:s17], [sflag:$0x9] =	stream.linear.gather [hbm4b:s6+s4], $0x200, $0x38;
	[tilespmem:$0x10700] =	vst v63  }
0x17: {  	_ =	swait.ge [sflag:s8], $0x200  }
0x18: {  	[sflag:s8] =	ssyncset.done $0x0  }
0x19: {  	[sflag:s8] =	ssyncadd.s32 $0xFFFFFE00  }
0x1a: {  	v33 =	vld [tilespmem:$0x0];
	_ =	sdelay $0x1  }
0x1b: {  	v34 =	vld [tilespmem:$0x280];
	_ =	sdelay $0x2  }
0x1c: {  	(v2sf) =	vpush v33, $0x0;
	_ =	sdelay $0x1  }
0x1d: {  	(v2sf) =	vpush v34, $0x0;
	_ =	sdelay $0xc  }
0x1e: {  	s19 =	spop (v2sf)  }
0x1f: {  	s17 =	sand.u32 $0xFFFFF80, s19  }
0x20: {  	s20 =	spop (v2sf);
	s17 =	sadd.s32 s1, s17  }
0x21: {  	[tilespmem:s13], [sflag:$0x1] =	stream.strided.gather [hbm4b:s17+s10], $0x1000, s12, s10, $0x38;
	[tilespmem:$0x10700] =	vst v63  }
0x22: {  	s17 =	sand.u32 $0xFFFFF80, s20  }
0x23: {  	s18 =	simm.s32 $0x1500;
	s17 =	sadd.s32 s2, s17  }
0x24: {  	[tilespmem:s18], [sflag:$0x1] =	stream.strided.gather [hbm4b:s17+s10], $0x1000, s12, s10, $0x38;
	[tilespmem:$0x10700] =	vst v63  }
0x25: {  	v52 =	vld [tilespmem:$0x1];
	_ =	sdelay $0x1  }
0x26: {  	v53 =	vld [tilespmem:$0x281];
	_ =	sdelay $0x2  }
0x27: {  	(v2sf) =	vpush v52, $0x0;
	_ =	sdelay $0x1  }
0x28: {  	(v2sf) =	vpush v53, $0x0;
	_ =	sdelay $0xc  }
0x29: {  	s21 =	spop (v2sf)  }
0x2a: {  	s17 =	sand.u32 $0xFFFFF80, s21  }
0x2b: {  	s22 =	simm.s32 $0x2500;
	s23 =	spop (v2sf);
	s17 =	sadd.s32 s1, s17  }
0x2c: {  	[tilespmem:s22], [sflag:$0x2] =	stream.strided.gather [hbm4b:s17+s10], $0x1000, s12, s10, $0x38;
	[tilespmem:$0x10700] =	vst v63  }
0x2d: {  	s17 =	sand.u32 $0xFFFFF80, s23  }
0x2e: {  	s24 =	simm.s32 $0x3500;
	s17 =	sadd.s32 s2, s17  }
0x2f: {  	[tilespmem:s24], [sflag:$0x2] =	stream.strided.gather [hbm4b:s17+s10], $0x1000, s12, s10, $0x38;
	[tilespmem:$0x10700] =	vst v63  }
0x30: {  	v54 =	vld [tilespmem:$0x2];
	_ =	sdelay $0x1  }
0x31: {  	v55 =	vld [tilespmem:$0x282];
	_ =	sdelay $0x2  }
0x32: {  	(v2sf) =	vpush v54, $0x0;
	_ =	sdelay $0x1  }
0x33: {  	(v2sf) =	vpush v55, $0x0;
	_ =	sdelay $0xc  }
0x34: {  	s19 =	spop (v2sf)  }
0x35: {  	s17 =	sand.u32 $0xFFFFF80, s19  }
0x36: {  	s20 =	simm.s32 $0x4500;
	s21 =	spop (v2sf);
	s17 =	sadd.s32 s1, s17  }
0x37: {  	[tilespmem:s20], [sflag:$0x3] =	stream.strided.gather [hbm4b:s17+s10], $0x1000, s12, s10, $0x38;
	[tilespmem:$0x10700] =	vst v63  }
0x38: {  	s17 =	sand.u32 $0xFFFFF80, s21  }
0x39: {  	s22 =	simm.s32 $0x5500;
	s17 =	sadd.s32 s2, s17  }
0x3a: {  	[tilespmem:s22], [sflag:$0x3] =	stream.strided.gather [hbm4b:s17+s10], $0x1000, s12, s10, $0x38;
	[tilespmem:$0x10700] =	vst v63  }
0x3b: {  	v56 =	vld [tilespmem:$0x3];
	_ =	sdelay $0x1  }
0x3c: {  	v57 =	vld [tilespmem:$0x283];
	_ =	sdelay $0x2  }
0x3d: {  	(v2sf) =	vpush v56, $0x0;
	_ =	sdelay $0x1  }
0x3e: {  	(v2sf) =	vpush v57, $0x0;
	_ =	sdelay $0xc  }
0x3f: {  	s23 =	spop (v2sf)  }
0x40: {  	s17 =	sand.u32 $0xFFFFF80, s23  }
0x41: {  	s24 =	simm.s32 $0x6500;
	s19 =	spop (v2sf);
	s17 =	sadd.s32 s1, s17  }
0x42: {  	[tilespmem:s24], [sflag:$0x4] =	stream.strided.gather [hbm4b:s17+s10], $0x1000, s12, s10, $0x38;
	[tilespmem:$0x10700] =	vst v63  }
0x43: {  	s17 =	sand.u32 $0xFFFFF80, s19  }
0x44: {  	s20 =	simm.s32 $0x7500;
	s17 =	sadd.s32 s2, s17  }
0x45: {  	[tilespmem:s20], [sflag:$0x4] =	stream.strided.gather [hbm4b:s17+s10], $0x1000, s12, s10, $0x38;
	[tilespmem:$0x10700] =	vst v63  }
0x46: {  	v58 =	vld [tilespmem:$0x4];
	_ =	sdelay $0x1  }
0x47: {  	v59 =	vld [tilespmem:$0x284];
	_ =	sdelay $0x2  }
0x48: {  	(v2sf) =	vpush v58, $0x0;
	_ =	sdelay $0x1  }
0x49: {  	(v2sf) =	vpush v59, $0x0;
	_ =	sdelay $0xc  }
0x4a: {  	s21 =	spop (v2sf)  }
0x4b: {  	s17 =	sand.u32 $0xFFFFF80, s21  }
0x4c: {  	s22 =	simm.s32 $0x8500;
	s23 =	spop (v2sf);
	s17 =	sadd.s32 s1, s17  }
0x4d: {  	[tilespmem:s22], [sflag:$0x5] =	stream.strided.gather [hbm4b:s17+s10], $0x1000, s12, s10, $0x38;
	[tilespmem:$0x10700] =	vst v63  }
0x4e: {  	s17 =	sand.u32 $0xFFFFF80, s23  }
0x4f: {  	s24 =	simm.s32 $0x9500;
	s17 =	sadd.s32 s2, s17  }
0x50: {  	[tilespmem:s24], [sflag:$0x5] =	stream.strided.gather [hbm4b:s17+s10], $0x1000, s12, s10, $0x38;
	[tilespmem:$0x10700] =	vst v63  }
0x51: {  	v60 =	vld [tilespmem:$0x5];
	_ =	sdelay $0x1  }
0x52: {  	v61 =	vld [tilespmem:$0x285];
	_ =	sdelay $0x2  }
0x53: {  	(v2sf) =	vpush v60, $0x0;
	_ =	sdelay $0x1  }
0x54: {  	(v2sf) =	vpush v61, $0x0;
	_ =	sdelay $0xc  }
0x55: {  	s19 =	spop (v2sf)  }
0x56: {  	s17 =	sand.u32 $0xFFFFF80, s19  }
0x57: {  	s20 =	simm.s32 $0xA500;
	s21 =	spop (v2sf);
	s17 =	sadd.s32 s1, s17  }
0x58: {  	[tilespmem:s20], [sflag:$0x6] =	stream.strided.gather [hbm4b:s17+s10], $0x1000, s12, s10, $0x38;
	[tilespmem:$0x10700] =	vst v63  }
0x59: {  	s17 =	sand.u32 $0xFFFFF80, s21  }
0x5a: {  	s22 =	simm.s32 $0xB500;
	s17 =	sadd.s32 s2, s17  }
0x5b: {  	[tilespmem:s22], [sflag:$0x6] =	stream.strided.gather [hbm4b:s17+s10], $0x1000, s12, s10, $0x38;
	[tilespmem:$0x10700] =	vst v63  }
0x5c: {  	v62 =	vld [tilespmem:$0x6];
	_ =	sdelay $0x1  }
0x5d: {  	v63 =	vld [tilespmem:$0x286];
	_ =	sdelay $0x2  }
0x5e: {  	(v2sf) =	vpush v62, $0x0;
	_ =	sdelay $0x1  }
0x5f: {  	(v2sf) =	vpush v63, $0x0;
	_ =	sdelay $0xc  }
0x60: {  	s23 =	spop (v2sf)  }
0x61: {  	s17 =	sand.u32 $0xFFFFF80, s23  }
0x62: {  	s24 =	spop (v2sf);
	s17 =	sadd.s32 s1, s17  }
0x63: {  	[tilespmem:s25], [sflag:$0x7] =	stream.strided.gather [hbm4b:s17+s10], $0x1000, s12, s10, $0x38;
	[tilespmem:$0x10700] =	vst v63  }
0x64: {  	s17 =	sand.u32 $0xFFFFF80, s24  }
0x65: {  	s17 =	sadd.s32 s2, s17  }
0x66: {  	[tilespmem:s26], [sflag:$0x7] =	stream.strided.gather [hbm4b:s17+s10], $0x1000, s12, s10, $0x38;
	[tilespmem:$0x10700] =	vst v63  }
0x67: {  	v33 =	vimm.f32 $0.0e+00;
	s18 =	simm.s32 $0x0;
	s17 =	simm.s32 $0x0  }
.LBB2_2:
0x68: {  	s19 =	sshra.s32 s17, $0x2  }
0x69: {  	v34 =	vld [tilespmem:s19+$0x7];
	_ =	sdelay $0x1  }
0x6a: {  	v35 =	vld [tilespmem:s19+$0x287];
	_ =	sdelay $0x2  }
0x6b: {  	(v2sf) =	vpush v34, $0x0;
	_ =	sdelay $0x1  }
0x6c: {  	(v2sf) =	vpush v35, $0x0;
	_ =	sdelay $0xc  }
0x6d: {  	s20 =	spop (v2sf)  }
0x6e: {  	s20 =	sand.u32 $0xFFFFF80, s20  }
0x6f: {  	s21 =	rddreg [dreg:$0x6];
	s23 =	spop (v2sf);
	s20 =	sadd.s32 s1, s20  }
0x70: {  	[tilespmem:s21], [sflag:$0x8] =	stream.strided.gather [hbm4b:s20+s10], $0x1000, s12, s10, $0x38;
	[tilespmem:$0x10700] =	vst v63  }
0x71: {  	s20 =	sand.u32 $0xFFFFF80, s23  }
0x72: {  	s24 =	rddreg [dreg:$0x7];
	s20 =	sadd.s32 s2, s20  }
0x73: {  	[tilespmem:s24], [sflag:$0x8] =	stream.strided.gather [hbm4b:s20+s10], $0x1000, s12, s10, $0x38;
	[tilespmem:$0x10700] =	vst v63  }
0x74: {  	_ =	swait.ge [sflag:s28], $0x1000  }
0x75: {  	[sflag:s28] =	ssyncset.done $0x0  }
0x76: {  	[sflag:s28] =	ssyncadd.s32 $0xFFFFF000  }
0x77: {  	_ =	swait.ge [sflag:s28], $0x1000  }
0x78: {  	[sflag:s28] =	ssyncset.done $0x0  }
0x79: {  	[sflag:s28] =	ssyncadd.s32 $0xFFFFF000  }
0x7a: {  	v60 =	vld [tilespmem:s19+$0x0];
	_ =	sdelay $0x2  }
0x7b: {  	v61 =	vld [tilespmem:s19+$0x280];
	_ =	sdelay $0x1  }
0x7c: {  	(v2sf) =	vpush v60, $0x0;
	_ =	sdelay $0x2  }
0x7d: {  	(v2sf) =	vpush v61, $0x0;
	_ =	sdelay $0xb  }
0x7e: {  	s22 =	spop (v2sf)  }
0x7f: {  	s20 =	sand.u32 $0x7F, s22  }
0x80: {  	p0 =	seq.s32 s17, $0x7E0;
	v62 =	vor.u32 s20, v1  }
0x81: {  	s23 =	spop (v2sf);
	v63 =	vor.u32 s20, v2;
	s20 =	sshra.s32 @!p0 s17, $0x2  }
0x82: {  	s21 =	sand.u32 $0x7F, s23;
	v36 =	vld @!p0 [tilespmem:s20+$0x8]  }
0x83: {  	v37 =	vor.u32 s21, v3  }
0x84: {  	v38 =	vor.u32 s21, v4  }
0x85: {  	v34 =	vld.idx.msk [tilespmem:v62+s13+$0x0], $0xffff  }
0x86: {  	v35 =	vld.idx.msk [tilespmem:v63+s13+$0x0], $0xffff  }
0x87: {  	(v2sf) =	vpush @!p0 v36, $0x0;
	v36 =	vld @!p0 [tilespmem:s20+$0x288]  }
0x88: {  	v37 =	vld.idx.msk [tilespmem:v37+s13+$0x0], $0xffff  }
0x89: {  	v38 =	vld.idx.msk [tilespmem:v38+s13+$0x0], $0xffff;
	_ =	sdelay $0x2  }
0x8a: {  	(v2sf) =	vpush @!p0 v36, $0x0  }
0x8b: {  	v40 =	vadd.f32 v37, v34  }
0x8c: {  	v34 =	vmul.f32 v37, v34;
	v41 =	vadd.f32 v38, v35;
	v35 =	vmul.f32 v38, v35;
	_ =	sdelay $0x1  }
0x8d: {  	v34 =	vadd.f32 v34, v40;
	v35 =	vadd.f32 v35, v41;
	_ =	sdelay $0x1  }
0x8e: {  	v34 =	vadd.f32 v35, v34;
	_ =	sdelay $0x1  }
0x8f: {  	(xrf2) =	vadd.scan.msk.f32 $0xffff, v34;
	_ =	sdelay $0x2  }
0x90: {  	s21 =	spop @!p0 (v2sf)  }
0x91: {  	s24 =	simm.s32 @!p0 $0x500;
	s21 =	sand.u32 @!p0 $0xFFFFF80, s21  }
0x92: {  	s22 =	simm.s32 @!p0 $0x7A1400;
	s23 =	sadd.s32 @!p0 s1, s21;
	s21 =	simm.s32 @!p0 $0x400  }
0x93: {  	[tilespmem:s24], [sflag:$0x1] =	stream.strided.gather @!p0 [hbm4b:s23+s21], $0x1000, s22, s21, $0x38;
	[tilespmem:$0x10700] =	vst v63  }
0x94: {  	s23 =	spop @!p0 (v2sf)  }
0x95: {  	s23 =	sand.u32 @!p0 $0xFFFFF80, s23  }
0x96: {  	s24 =	simm.s32 @!p0 $0x1500;
	s23 =	sadd.s32 @!p0 s2, s23  }
0x97: {  	v34, _, _ =	vpop (xrf2);
	[tilespmem:s24], [sflag:$0x1] =	stream.strided.gather @!p0 [hbm4b:s23+s21], $0x1000, s22, s21, $0x38;
	[tilespmem:$0x10700] =	vst v63  }
0x98: {  	_ =	swait.ge [sflag:s29], $0x1000  }
0x99: {  	[sflag:s29] =	ssyncset.done $0x0  }
0x9a: {  	[sflag:s29] =	ssyncadd.s32 $0xFFFFF000  }
0x9b: {  	_ =	swait.ge [sflag:s29], $0x1000  }
0x9c: {  	[sflag:s29] =	ssyncset.done $0x0  }
0x9d: {  	[sflag:s29] =	ssyncadd.s32 $0xFFFFF000  }
0x9e: {  	v42 =	vld [tilespmem:s19+$0x1];
	_ =	sdelay $0x1  }
0x9f: {  	v43 =	vld [tilespmem:s19+$0x281];
	_ =	sdelay $0x2  }
0xa0: {  	(v2sf) =	vpush v42, $0x0;
	_ =	sdelay $0x1  }
0xa1: {  	(v2sf) =	vpush v43, $0x0;
	_ =	sdelay $0xc  }
0xa2: {  	s24 =	spop (v2sf)  }
0xa3: {  	s23 =	sand.u32 $0x7F, s24  }
0xa4: {  	s24 =	spop (v2sf);
	v44 =	vor.u32 s23, v5  }
0xa5: {  	v45 =	vor.u32 s23, v6;
	s24 =	sand.u32 $0x7F, s24  }
0xa6: {  	v38 =	vld @!p0 [tilespmem:s20+$0x9];
	v46 =	vor.u32 s24, v7  }
0xa7: {  	v39 =	vor.u32 s24, v8  }
0xa8: {  	v40 =	vld @!p0 [tilespmem:s20+$0x289]  }
0xa9: {  	v35 =	vld.idx.msk [tilespmem:v44+s13+$0x0], $0xffff  }
0xaa: {  	v36 =	vld.idx.msk [tilespmem:v45+s13+$0x0], $0xffff  }
0xab: {  	(v2sf) =	vpush @!p0 v38, $0x0;
	v37 =	vld.idx.msk [tilespmem:v46+s13+$0x0], $0xffff  }
0xac: {  	v47 =	vld.idx.msk [tilespmem:v39+s13+$0x0], $0xffff;
	_ =	sdelay $0x2  }
0xad: {  	(v2sf) =	vpush @!p0 v40, $0x0  }
0xae: {  	v48 =	vadd.f32 v37, v35  }
0xaf: {  	v35 =	vmul.f32 v37, v35;
	v49 =	vadd.f32 v47, v36;
	v36 =	vmul.f32 v47, v36;
	_ =	sdelay $0x1  }
0xb0: {  	v35 =	vadd.f32 v35, v48;
	v36 =	vadd.f32 v36, v49;
	_ =	sdelay $0x1  }
0xb1: {  	v35 =	vadd.f32 v36, v35;
	_ =	sdelay $0x1  }
0xb2: {  	(xrf2) =	vadd.scan.msk.f32 $0xffff, v35;
	_ =	sdelay $0x2  }
0xb3: {  	s23 =	spop @!p0 (v2sf)  }
0xb4: {  	s23 =	sand.u32 @!p0 $0xFFFFF80, s23  }
0xb5: {  	s24 =	simm.s32 @!p0 $0x2500;
	s23 =	sadd.s32 @!p0 s1, s23  }
0xb6: {  	[tilespmem:s24], [sflag:$0x2] =	stream.strided.gather @!p0 [hbm4b:s23+s21], $0x1000, s22, s21, $0x38;
	[tilespmem:$0x10700] =	vst v63  }
0xb7: {  	s23 =	spop @!p0 (v2sf)  }
0xb8: {  	s23 =	sand.u32 @!p0 $0xFFFFF80, s23  }
0xb9: {  	s24 =	simm.s32 @!p0 $0x3500;
	s23 =	sadd.s32 @!p0 s2, s23  }
0xba: {  	[tilespmem:s24], [sflag:$0x2] =	stream.strided.gather @!p0 [hbm4b:s23+s21], $0x1000, s22, s21, $0x38;
	v35, _, _ =	vpop (xrf2);
	[tilespmem:$0x10700] =	vst v63  }
0xbb: {  	_ =	swait.ge [sflag:s30], $0x1000  }
0xbc: {  	[sflag:s30] =	ssyncset.done $0x0  }
0xbd: {  	[sflag:s30] =	ssyncadd.s32 $0xFFFFF000  }
0xbe: {  	_ =	swait.ge [sflag:s30], $0x1000  }
0xbf: {  	[sflag:s30] =	ssyncset.done $0x0  }
0xc0: {  	[sflag:s30] =	ssyncadd.s32 $0xFFFFF000  }
0xc1: {  	v50 =	vld [tilespmem:s19+$0x2];
	_ =	sdelay $0x1  }
0xc2: {  	v51 =	vld [tilespmem:s19+$0x282];
	_ =	sdelay $0x2  }
0xc3: {  	(v2sf) =	vpush v50, $0x0;
	_ =	sdelay $0x1  }
0xc4: {  	(v2sf) =	vpush v51, $0x0;
	_ =	sdelay $0xc  }
0xc5: {  	s24 =	spop (v2sf)  }
0xc6: {  	s23 =	sand.u32 $0x7F, s24  }
0xc7: {  	s24 =	spop (v2sf);
	v52 =	vor.u32 s23, v9  }
0xc8: {  	v53 =	vor.u32 s23, v10;
	s24 =	sand.u32 $0x7F, s24  }
0xc9: {  	v39 =	vld @!p0 [tilespmem:s20+$0xA];
	v54 =	vor.u32 s24, v11  }
0xca: {  	v55 =	vor.u32 s24, v12  }
0xcb: {  	v41 =	vld @!p0 [tilespmem:s20+$0x28A]  }
0xcc: {  	v36 =	vld.idx.msk [tilespmem:v52+s13+$0x0], $0xffff  }
0xcd: {  	v37 =	vld.idx.msk [tilespmem:v53+s13+$0x0], $0xffff  }
0xce: {  	(v2sf) =	vpush @!p0 v39, $0x0;
	v38 =	vld.idx.msk [tilespmem:v54+s13+$0x0], $0xffff  }
0xcf: {  	v56 =	vld.idx.msk [tilespmem:v55+s13+$0x0], $0xffff;
	_ =	sdelay $0x2  }
0xd0: {  	(v2sf) =	vpush @!p0 v41, $0x0  }
0xd1: {  	v57 =	vadd.f32 v38, v36  }
0xd2: {  	v36 =	vmul.f32 v38, v36;
	v58 =	vadd.f32 v56, v37;
	v37 =	vmul.f32 v56, v37;
	_ =	sdelay $0x1  }
0xd3: {  	v36 =	vadd.f32 v36, v57;
	v37 =	vadd.f32 v37, v58;
	_ =	sdelay $0x1  }
0xd4: {  	v36 =	vadd.f32 v37, v36;
	_ =	sdelay $0x1  }
0xd5: {  	(xrf2) =	vadd.scan.msk.f32 $0xffff, v36;
	_ =	sdelay $0x2  }
0xd6: {  	s23 =	spop @!p0 (v2sf)  }
0xd7: {  	s23 =	sand.u32 @!p0 $0xFFFFF80, s23  }
0xd8: {  	s24 =	simm.s32 @!p0 $0x4500;
	s23 =	sadd.s32 @!p0 s1, s23  }
0xd9: {  	[tilespmem:s24], [sflag:$0x3] =	stream.strided.gather @!p0 [hbm4b:s23+s21], $0x1000, s22, s21, $0x38;
	[tilespmem:$0x10700] =	vst v63  }
0xda: {  	s23 =	spop @!p0 (v2sf)  }
0xdb: {  	s23 =	sand.u32 @!p0 $0xFFFFF80, s23  }
0xdc: {  	s24 =	simm.s32 @!p0 $0x5500;
	s23 =	sadd.s32 @!p0 s2, s23  }
0xdd: {  	[tilespmem:s24], [sflag:$0x3] =	stream.strided.gather @!p0 [hbm4b:s23+s21], $0x1000, s22, s21, $0x38;
	v36, _, _ =	vpop (xrf2);
	[tilespmem:$0x10700] =	vst v63  }
0xde: {  	_ =	swait.ge [sflag:s31], $0x1000  }
0xdf: {  	[sflag:s31] =	ssyncset.done $0x0  }
0xe0: {  	[sflag:s31] =	ssyncadd.s32 $0xFFFFF000  }
0xe1: {  	_ =	swait.ge [sflag:s31], $0x1000  }
0xe2: {  	[sflag:s31] =	ssyncset.done $0x0  }
0xe3: {  	[sflag:s31] =	ssyncadd.s32 $0xFFFFF000  }
0xe4: {  	v59 =	vld [tilespmem:s19+$0x3];
	_ =	sdelay $0x1  }
0xe5: {  	v60 =	vld [tilespmem:s19+$0x283];
	_ =	sdelay $0x2  }
0xe6: {  	(v2sf) =	vpush v59, $0x0;
	_ =	sdelay $0x1  }
0xe7: {  	(v2sf) =	vpush v60, $0x0;
	_ =	sdelay $0xc  }
0xe8: {  	s24 =	spop (v2sf)  }
0xe9: {  	s23 =	sand.u32 $0x7F, s24  }
0xea: {  	s24 =	spop (v2sf);
	v61 =	vor.u32 s23, v13  }
0xeb: {  	v62 =	vor.u32 s23, v14;
	s24 =	sand.u32 $0x7F, s24  }
0xec: {  	v40 =	vld @!p0 [tilespmem:s20+$0xB];
	v63 =	vor.u32 s24, v15  }
0xed: {  	v45 =	vor.u32 s24, v16  }
0xee: {  	v42 =	vld @!p0 [tilespmem:s20+$0x28B]  }
0xef: {  	v37 =	vld.idx.msk [tilespmem:v61+s13+$0x0], $0xffff  }
0xf0: {  	v38 =	vld.idx.msk [tilespmem:v62+s13+$0x0], $0xffff  }
0xf1: {  	(v2sf) =	vpush @!p0 v40, $0x0;
	v39 =	vld.idx.msk [tilespmem:v63+s13+$0x0], $0xffff  }
0xf2: {  	v46 =	vld.idx.msk [tilespmem:v45+s13+$0x0], $0xffff;
	_ =	sdelay $0x2  }
0xf3: {  	(v2sf) =	vpush @!p0 v42, $0x0  }
0xf4: {  	v47 =	vadd.f32 v39, v37  }
0xf5: {  	v37 =	vmul.f32 v39, v37;
	v48 =	vadd.f32 v46, v38;
	v38 =	vmul.f32 v46, v38;
	_ =	sdelay $0x1  }
0xf6: {  	v37 =	vadd.f32 v37, v47;
	v38 =	vadd.f32 v38, v48;
	_ =	sdelay $0x1  }
0xf7: {  	v37 =	vadd.f32 v38, v37;
	_ =	sdelay $0x1  }
0xf8: {  	(xrf2) =	vadd.scan.msk.f32 $0xffff, v37;
	_ =	sdelay $0x2  }
0xf9: {  	s23 =	spop @!p0 (v2sf)  }
0xfa: {  	s23 =	sand.u32 @!p0 $0xFFFFF80, s23  }
0xfb: {  	s24 =	simm.s32 @!p0 $0x6500;
	s23 =	sadd.s32 @!p0 s1, s23  }
0xfc: {  	[tilespmem:s24], [sflag:$0x4] =	stream.strided.gather @!p0 [hbm4b:s23+s21], $0x1000, s22, s21, $0x38;
	[tilespmem:$0x10700] =	vst v63  }
0xfd: {  	s23 =	spop @!p0 (v2sf)  }
0xfe: {  	s23 =	sand.u32 @!p0 $0xFFFFF80, s23  }
0xff: {  	s24 =	simm.s32 @!p0 $0x7500;
	s23 =	sadd.s32 @!p0 s2, s23  }
0x100: {  	[tilespmem:s24], [sflag:$0x4] =	stream.strided.gather @!p0 [hbm4b:s23+s21], $0x1000, s22, s21, $0x38;
	v37, _, _ =	vpop (xrf2);
	[tilespmem:$0x10700] =	vst v63  }
0x101: {  	_ =	swait.ge [sflag:s0], $0x1000  }
0x102: {  	[sflag:s0] =	ssyncset.done $0x0  }
0x103: {  	[sflag:s0] =	ssyncadd.s32 $0xFFFFF000  }
0x104: {  	_ =	swait.ge [sflag:s0], $0x1000  }
0x105: {  	[sflag:s0] =	ssyncset.done $0x0  }
0x106: {  	[sflag:s0] =	ssyncadd.s32 $0xFFFFF000  }
0x107: {  	v49 =	vld [tilespmem:s19+$0x4];
	_ =	sdelay $0x1  }
0x108: {  	v50 =	vld [tilespmem:s19+$0x284];
	_ =	sdelay $0x2  }
0x109: {  	(v2sf) =	vpush v49, $0x0;
	_ =	sdelay $0x1  }
0x10a: {  	(v2sf) =	vpush v50, $0x0;
	_ =	sdelay $0xc  }
0x10b: {  	s24 =	spop (v2sf)  }
0x10c: {  	s23 =	sand.u32 $0x7F, s24  }
0x10d: {  	s24 =	spop (v2sf);
	v51 =	vor.u32 s23, v17  }
0x10e: {  	v52 =	vor.u32 s23, v18;
	s24 =	sand.u32 $0x7F, s24  }
0x10f: {  	v41 =	vld @!p0 [tilespmem:s20+$0xC];
	v53 =	vor.u32 s24, v19  }
0x110: {  	v54 =	vor.u32 s24, v20  }
0x111: {  	v43 =	vld @!p0 [tilespmem:s20+$0x28C]  }
0x112: {  	v38 =	vld.idx.msk [tilespmem:v51+s13+$0x0], $0xffff  }
0x113: {  	v39 =	vld.idx.msk [tilespmem:v52+s13+$0x0], $0xffff  }
0x114: {  	(v2sf) =	vpush @!p0 v41, $0x0;
	v40 =	vld.idx.msk [tilespmem:v53+s13+$0x0], $0xffff  }
0x115: {  	v55 =	vld.idx.msk [tilespmem:v54+s13+$0x0], $0xffff;
	_ =	sdelay $0x2  }
0x116: {  	(v2sf) =	vpush @!p0 v43, $0x0  }
0x117: {  	v56 =	vadd.f32 v40, v38  }
0x118: {  	v38 =	vmul.f32 v40, v38;
	v57 =	vadd.f32 v55, v39;
	v39 =	vmul.f32 v55, v39;
	_ =	sdelay $0x1  }
0x119: {  	v38 =	vadd.f32 v38, v56;
	v39 =	vadd.f32 v39, v57;
	_ =	sdelay $0x1  }
0x11a: {  	v38 =	vadd.f32 v39, v38;
	_ =	sdelay $0x1  }
0x11b: {  	(xrf2) =	vadd.scan.msk.f32 $0xffff, v38;
	_ =	sdelay $0x2  }
0x11c: {  	s23 =	spop @!p0 (v2sf)  }
0x11d: {  	s23 =	sand.u32 @!p0 $0xFFFFF80, s23  }
0x11e: {  	s24 =	simm.s32 @!p0 $0x8500;
	s23 =	sadd.s32 @!p0 s1, s23  }
0x11f: {  	[tilespmem:s24], [sflag:$0x5] =	stream.strided.gather @!p0 [hbm4b:s23+s21], $0x1000, s22, s21, $0x38;
	[tilespmem:$0x10700] =	vst v63  }
0x120: {  	s23 =	spop @!p0 (v2sf)  }
0x121: {  	s23 =	sand.u32 @!p0 $0xFFFFF80, s23  }
0x122: {  	s24 =	simm.s32 @!p0 $0x9500;
	s23 =	sadd.s32 @!p0 s2, s23  }
0x123: {  	[tilespmem:s24], [sflag:$0x5] =	stream.strided.gather @!p0 [hbm4b:s23+s21], $0x1000, s22, s21, $0x38;
	v38, _, _ =	vpop (xrf2);
	[tilespmem:$0x10700] =	vst v63  }
0x124: {  	_ =	swait.ge [sflag:s3], $0x1000  }
0x125: {  	[sflag:s3] =	ssyncset.done $0x0  }
0x126: {  	[sflag:s3] =	ssyncadd.s32 $0xFFFFF000  }
0x127: {  	_ =	swait.ge [sflag:s3], $0x1000  }
0x128: {  	[sflag:s3] =	ssyncset.done $0x0  }
0x129: {  	[sflag:s3] =	ssyncadd.s32 $0xFFFFF000  }
0x12a: {  	v58 =	vld [tilespmem:s19+$0x5];
	_ =	sdelay $0x1  }
0x12b: {  	v59 =	vld [tilespmem:s19+$0x285];
	_ =	sdelay $0x2  }
0x12c: {  	(v2sf) =	vpush v58, $0x0;
	_ =	sdelay $0x1  }
0x12d: {  	(v2sf) =	vpush v59, $0x0;
	_ =	sdelay $0xc  }
0x12e: {  	s24 =	spop (v2sf)  }
0x12f: {  	s23 =	sand.u32 $0x7F, s24  }
0x130: {  	s24 =	spop (v2sf);
	v60 =	vor.u32 s23, v21  }
0x131: {  	v61 =	vor.u32 s23, v22;
	s24 =	sand.u32 $0x7F, s24  }
0x132: {  	v42 =	vld @!p0 [tilespmem:s20+$0xD];
	v62 =	vor.u32 s24, v23  }
0x133: {  	v63 =	vor.u32 s24, v24  }
0x134: {  	v44 =	vld @!p0 [tilespmem:s20+$0x28D]  }
0x135: {  	v39 =	vld.idx.msk [tilespmem:v60+s13+$0x0], $0xffff  }
0x136: {  	v40 =	vld.idx.msk [tilespmem:v61+s13+$0x0], $0xffff  }
0x137: {  	(v2sf) =	vpush @!p0 v42, $0x0;
	v41 =	vld.idx.msk [tilespmem:v62+s13+$0x0], $0xffff  }
0x138: {  	v46 =	vld.idx.msk [tilespmem:v63+s13+$0x0], $0xffff;
	_ =	sdelay $0x2  }
0x139: {  	(v2sf) =	vpush @!p0 v44, $0x0  }
0x13a: {  	v47 =	vadd.f32 v41, v39  }
0x13b: {  	v39 =	vmul.f32 v41, v39;
	v48 =	vadd.f32 v46, v40;
	v40 =	vmul.f32 v46, v40;
	_ =	sdelay $0x1  }
0x13c: {  	v39 =	vadd.f32 v39, v47;
	v40 =	vadd.f32 v40, v48;
	_ =	sdelay $0x1  }
0x13d: {  	v39 =	vadd.f32 v40, v39;
	_ =	sdelay $0x1  }
0x13e: {  	(xrf2) =	vadd.scan.msk.f32 $0xffff, v39;
	_ =	sdelay $0x2  }
0x13f: {  	s23 =	spop @!p0 (v2sf)  }
0x140: {  	s23 =	sand.u32 @!p0 $0xFFFFF80, s23  }
0x141: {  	s24 =	simm.s32 @!p0 $0xA500;
	s23 =	sadd.s32 @!p0 s1, s23  }
0x142: {  	[tilespmem:s24], [sflag:$0x6] =	stream.strided.gather @!p0 [hbm4b:s23+s21], $0x1000, s22, s21, $0x38;
	[tilespmem:$0x10700] =	vst v63  }
0x143: {  	s23 =	spop @!p0 (v2sf)  }
0x144: {  	s23 =	sand.u32 @!p0 $0xFFFFF80, s23  }
0x145: {  	s24 =	simm.s32 @!p0 $0xB500;
	s23 =	sadd.s32 @!p0 s2, s23  }
0x146: {  	[tilespmem:s24], [sflag:$0x6] =	stream.strided.gather @!p0 [hbm4b:s23+s21], $0x1000, s22, s21, $0x38;
	v39, _, _ =	vpop (xrf2);
	[tilespmem:$0x10700] =	vst v63  }
0x147: {  	_ =	swait.ge [sflag:s9], $0x1000  }
0x148: {  	[sflag:s9] =	ssyncset.done $0x0  }
0x149: {  	[sflag:s9] =	ssyncadd.s32 $0xFFFFF000  }
0x14a: {  	_ =	swait.ge [sflag:s9], $0x1000  }
0x14b: {  	[sflag:s9] =	ssyncset.done $0x0  }
0x14c: {  	[sflag:s9] =	ssyncadd.s32 $0xFFFFF000  }
0x14d: {  	v49 =	vld [tilespmem:s19+$0x6];
	_ =	sdelay $0x1  }
0x14e: {  	v50 =	vld [tilespmem:s19+$0x286];
	_ =	sdelay $0x2  }
0x14f: {  	(v2sf) =	vpush v49, $0x0;
	_ =	sdelay $0x1  }
0x150: {  	(v2sf) =	vpush v50, $0x0;
	_ =	sdelay $0xc  }
0x151: {  	s24 =	spop (v2sf)  }
0x152: {  	s23 =	sand.u32 $0x7F, s24  }
0x153: {  	s24 =	spop (v2sf);
	v51 =	vor.u32 s23, v25  }
0x154: {  	v52 =	vor.u32 s23, v26;
	s24 =	sand.u32 $0x7F, s24  }
0x155: {  	v43 =	vld @!p0 [tilespmem:s20+$0xE];
	v53 =	vor.u32 s24, v27  }
0x156: {  	v54 =	vor.u32 s24, v28  }
0x157: {  	v45 =	vld @!p0 [tilespmem:s20+$0x28E]  }
0x158: {  	v40 =	vld.idx.msk [tilespmem:v51+s13+$0x0], $0xffff  }
0x159: {  	v41 =	vld.idx.msk [tilespmem:v52+s13+$0x0], $0xffff  }
0x15a: {  	(v2sf) =	vpush @!p0 v43, $0x0;
	v42 =	vld.idx.msk [tilespmem:v53+s13+$0x0], $0xffff  }
0x15b: {  	v55 =	vld.idx.msk [tilespmem:v54+s13+$0x0], $0xffff;
	_ =	sdelay $0x2  }
0x15c: {  	(v2sf) =	vpush @!p0 v45, $0x0  }
0x15d: {  	v56 =	vadd.f32 v42, v40  }
0x15e: {  	v40 =	vmul.f32 v42, v40;
	v57 =	vadd.f32 v55, v41;
	v41 =	vmul.f32 v55, v41;
	_ =	sdelay $0x1  }
0x15f: {  	v40 =	vadd.f32 v40, v56;
	v41 =	vadd.f32 v41, v57;
	_ =	sdelay $0x1  }
0x160: {  	v40 =	vadd.f32 v41, v40;
	_ =	sdelay $0x1  }
0x161: {  	(xrf2) =	vadd.scan.msk.f32 $0xffff, v40;
	_ =	sdelay $0x2  }
0x162: {  	s20 =	spop @!p0 (v2sf)  }
0x163: {  	s20 =	sand.u32 @!p0 $0xFFFFF80, s20  }
0x164: {  	s23 =	simm.s32 @!p0 $0xC500;
	s20 =	sadd.s32 @!p0 s1, s20  }
0x165: {  	[tilespmem:s23], [sflag:$0x7] =	stream.strided.gather @!p0 [hbm4b:s20+s21], $0x1000, s22, s21, $0x38;
	[tilespmem:$0x10700] =	vst v63  }
0x166: {  	s20 =	spop @!p0 (v2sf)  }
0x167: {  	s20 =	sand.u32 @!p0 $0xFFFFF80, s20  }
0x168: {  	s23 =	simm.s32 @!p0 $0xD500;
	s20 =	sadd.s32 @!p0 s2, s20  }
0x169: {  	[tilespmem:s23], [sflag:$0x7] =	stream.strided.gather @!p0 [hbm4b:s20+s21], $0x1000, s22, s21, $0x38;
	v40, _, _ =	vpop (xrf2);
	[tilespmem:$0x10700] =	vst v63  }
0x16a: {  	_ =	swait.ge [sflag:s14], $0x1000  }
0x16b: {  	[sflag:s14] =	ssyncset.done $0x0  }
0x16c: {  	[sflag:s14] =	ssyncadd.s32 $0xFFFFF000  }
0x16d: {  	_ =	swait.ge [sflag:s14], $0x1000  }
0x16e: {  	[sflag:s14] =	ssyncset.done $0x0  }
0x16f: {  	[sflag:s14] =	ssyncadd.s32 $0xFFFFF000  }
0x170: {  	v58 =	vld [tilespmem:s19+$0x7];
	_ =	sdelay $0x1  }
0x171: {  	v59 =	vld [tilespmem:s19+$0x287];
	_ =	sdelay $0x2  }
0x172: {  	(v2sf) =	vpush v58, $0x0;
	_ =	sdelay $0x1  }
0x173: {  	(v2sf) =	vpush v59, $0x0;
	_ =	sdelay $0xc  }
0x174: {  	s20 =	spop (v2sf)  }
0x175: {  	s19 =	sand.u32 $0x7F, s20  }
0x176: {  	s21 =	spop (v2sf);
	v60 =	vor.u32 s19, v29  }
0x177: {  	s20 =	sand.u32 $0x7F, s21;
	v61 =	vor.u32 s19, v30  }
0x178: {  	v62 =	vor.u32 s20, v31  }
0x179: {  	v63 =	vor.u32 s20, v32;
	_ =	sdelay $0x1  }
0x17a: {  	v41 =	vld.idx.msk [tilespmem:v60+s13+$0x0], $0xffff  }
0x17b: {  	v42 =	vld.idx.msk [tilespmem:v61+s13+$0x0], $0xffff  }
0x17c: {  	v43 =	vld.idx.msk [tilespmem:v62+s13+$0x0], $0xffff  }
0x17d: {  	v44 =	vld.idx.msk [tilespmem:v63+s13+$0x0], $0xffff;
	_ =	sdelay $0x3  }
0x17e: {  	v48 =	vadd.f32 v43, v41  }
0x17f: {  	v41 =	vmul.f32 v43, v41;
	v49 =	vadd.f32 v44, v42;
	v42 =	vmul.f32 v44, v42;
	_ =	sdelay $0x1  }
0x180: {  	v41 =	vadd.f32 v41, v48;
	v42 =	vadd.f32 v42, v49;
	_ =	sdelay $0x1  }
0x181: {  	v41 =	vadd.f32 v42, v41;
	_ =	sdelay $0x1  }
0x182: {  	(xrf2) =	vadd.scan.msk.f32 $0xffff, v41  }
0x183: {  	s19 =	sand.u32 $0x1, s18  }
0x184: {  	v34 =	vbroadcast v34, $0xF;
	v35 =	vbroadcast v35, $0xF;
	s20 =	sshll.u32 s19, $0x3  }
0x185: {  	v53 =	vbroadcast v36, $0xF;
	v55 =	vbroadcast v37, $0xF;
	v50 =	vmov s20  }
0x186: {  	v57 =	vbroadcast v38, $0xF;
	v59 =	vbroadcast v39, $0xF;
	s22 =	sor.u32 $0x1, s20;
	s23 =	sor.u32 $0x2, s20;
	s24 =	sor.u32 $0x3, s20;
	vm0 =	veq.s32 v50, v0  }
0x187: {  	v51 =	vmov s22;
	v52 =	vmov s23;
	v54 =	vmov s24  }
0x188: {  	s22 =	sor.u32 $0x4, s20;
	v33 =	vsel vm0, v34, v33;
	vm9 =	veq.s32 v51, v0;
	vm10 =	veq.s32 v52, v0  }
0x189: {  	p0 =	seq.s32 s19, $0x0;
	s23 =	sor.u32 $0x5, s20;
	vm11 =	veq.s32 v54, v0;
	v56 =	vmov s22;
	v33 =	vsel vm9, v35, v33  }
0x18a: {  	s19 =	sand.u32 @!p0 $0x7C0, s17;
	s17 =	sadd.s32 $0x20, s17;
	s24 =	sor.u32 $0x6, s20;
	v58 =	vmov s23;
	vm12 =	veq.s32 v56, v0;
	v33 =	vsel vm10, v53, v33  }
0x18b: {  	p1 =	sne.s32 s17, $0x800;
	vm13 =	veq.s32 v58, v0;
	v60 =	vmov s24;
	v33 =	vsel vm11, v55, v33  }
.Ltmp0:
0x18c: {  	s20 =	sor.u32 $0x7, s20;
	v61 =	vbroadcast v40, $0xF;
	vm14 =	veq.s32 v60, v0;
	v33 =	vsel vm12, v57, v33;
	v62, _, _ =	vpop (xrf2);
	(pc) =	sbr.rel @p1 .LBB2_2-.Ltmp0, $4  }
0x18d: {  	v63 =	vmov s20;
	v33 =	vsel vm13, v59, v33;
	v36 =	vbroadcast v62, $0xF  }
0x18e: {  	vm15 =	veq.s32 v63, v0;
	v33 =	vsel vm14, v61, v33  }
0x18f: {  	s19 =	sshrl.u32 @!p0 s19, $0x2;
	v33 =	vsel vm15, v36, v33  }
0x190: {  	s18 =	sadd.s32 $0x1, s18;
	[tilespmem:s19+$0x10500] =	vst @!p0 v33;
	v33 =	vpsel !p0, $0x0, v33  }
0x191: {  	s16 =	sadd.s32 $0x1, s16  }
0x192: {  	p0 =	sne.s32 s16, s11  }
.Ltmp1:
0x193: {  	_ = 	snop;
	(pc) =	sbr.rel @p0 .LBB2_1-.Ltmp1, $4  }
0x194: {  	[hbm4b:s7+s4] =	stream.linear.scatter [tilespmem:s15], [sflag:$0x9], $0x200, $0x38;
	[tilespmem:$0x10700] =	vst v63  }
0x195: {  	_ =	swait.ge [sflag:s8], $0x200  }
0x196: {  	[sflag:s8] =	ssyncset.done $0x0  }
0x197: {  	[sflag:s8] =	ssyncadd.s32 $0xFFFFFE00  }
0x198: {  	_ =	sfence.sel $0x180000  }
0x199: {  	[bflag:$0x0] =	sbarrier.arrive $0xFFFF  }
0x19a: {  	_ =	strace $0x90000047  }
0x19b: {  	s0 =	stileid.u32;
	[bflag:$0x2] =	sbarrier.arrive $0xFFFF  }
0x19c: {  	p0 =	sne.s32 s0, $0x0;
	s0 =	rddreg [dreg:$0x5]  }
0x19d: {  	s0 =	sadd.s32 @!p0 $0x100000, s0  }
0x19e: {  	[sflag:s0] =	ssyncadd.tile.s32 @!p0 $0x1;
	_ =	shalt  }
.Lfunc_end2:
_tile_overlayer_lowered:
.L_overlay_start_2:
0x19f: {  	(tag) =	ssettag $0x2  }
0x1a0: {  	s0 =	rddreg [dreg:$0x0];
	s2 =	stileid.u32  }
0x1a1: {  	s1 =	rddreg [dreg:$0x1];
	p0 =	sne.s32 s2, $0x0  }
0x1a2: {  	s3 =	rddreg [dreg:$0x2];
	[bflag:$0x3] =	sbarrier.arrive $0xFFFF;
	s2 =	simm.s32 @!p0 $0x1C09  }
0x1a3: {  	[timem:s3], [sflag:s2] =	dma.local @!p0 [hbm:s0], s1  }
0x1a4: {  	s0 =	simm.s32 @!p0 $0x9  }
0x1a5: {  	_ =	swait.ge @!p0 [sflag:s0], s1  }
0x1a6: {  	s1 =	ssub.s32 @!p0 $0x0, s1;
	[sflag:s0] =	ssyncset.done @!p0 $0x0  }
0x1a7: {  	[sflag:s0] =	ssyncadd.s32 @!p0 s1  }
0x1a8: {  	[bflag:$0x3] =	sbarrier.arrive $0xFFFF  }
0x1a9: {  	_ =	shalt  }

</sc_bundles>
